<compile_context>
chip_gen: v7x
topology: tpu7x:2x2x1
jax: 0.10.2.dev20260603
libtpu: 0.0.44.dev20260713+nightly
codegen_flags: <defaults>
</compile_context>

<pallas_src>
import functools

import jax
import jax.numpy as jnp
from jax import lax
from jax.experimental import pallas as pl
from jax.experimental.pallas import tpu as pltpu
from jax.experimental.pallas import tpu_sc as plsc


def _mds_body(x_ref, y_ref, z_ref, s2_ref, out_ref, dens_ref):
    x = x_ref[...]
    y = y_ref[...]
    z = z_ref[...]
    s2 = s2_ref[...]
    B, n = x.shape
    npoint = out_ref.shape[1]
    lane_c = lax.broadcasted_iota(jnp.int32, (B, 128), 1)
    row_base = lax.broadcasted_iota(jnp.int32, (B, 1), 0) * n

    dens_ref[...] = jnp.zeros((B, n), x.dtype)

    buf0 = jnp.where(lane_c == 0, row_base, 0)

    nc = n // 128
    xc = [x[:, 128 * k:128 * (k + 1)] for k in range(nc)]
    yc = [y[:, 128 * k:128 * (k + 1)] for k in range(nc)]
    zc = [z[:, 128 * k:128 * (k + 1)] for k in range(nc)]

    s2b = jnp.broadcast_to(s2, (B, 128))

    def body(j, carry):
        pxb, pyb, pzb, buf = carry
        dc = []
        for k in range(nc):
            dxk = xc[k] - pxb
            dyk = yc[k] - pyb
            dzk = zc[k] - pzb
            d2k = (dxk * dxk + dzk * dzk) + dyk * dyk
            dk = dens_ref[:, 128 * k:128 * (k + 1)] + jnp.exp(-d2k / s2b)
            dens_ref[:, 128 * k:128 * (k + 1)] = dk
            dc.append(dk)

        p = dc[0]
        for k in range(1, nc):
            p = jnp.minimum(p, dc[k])
        m = jnp.min(p, axis=1, keepdims=True)
        mb = jnp.broadcast_to(m, (B, 128))

        cand = [
            jnp.where(dc[k] == mb, lane_c + 128 * k, n) for k in range(nc)
        ]
        cw = list(zip(cand, xc, yc, zc))
        gap = nc // 2
        while gap:
            nxt = []
            for i in range(gap):
                ca, xa, ya, za = cw[i]
                cb, xb, yb, zb = cw[i + gap]
                ta = ca <= cb
                nxt.append((
                    jnp.minimum(ca, cb),
                    jnp.where(ta, xa, xb),
                    jnp.where(ta, ya, yb),
                    jnp.where(ta, za, zb),
                ))
            cw = nxt
            gap //= 2
        c, wx, wy, wz = cw[0]

        ch = lax.convert_element_type(c, jnp.uint32) << 16
        xb_ = lax.bitcast_convert_type(wx, jnp.uint32)
        yb_ = lax.bitcast_convert_type(wy, jnp.uint32)
        zb_ = lax.bitcast_convert_type(wz, jnp.uint32)
        lo16 = jnp.uint32(0xFFFF)
        keys = [
            ch | (xb_ >> 16),
            ch | (xb_ & lo16),
            ch | (yb_ >> 16),
            ch | (yb_ & lo16),
            ch | (zb_ >> 16),
            ch | (zb_ & lo16),
        ]
        r = [
            lax.bitcast_convert_type(
                jnp.min(lax.bitcast_convert_type(kk, jnp.int32), axis=1, keepdims=True),
                jnp.uint32,
            )
            for kk in keys
        ]
        idxv = lax.convert_element_type(r[0] >> 16, jnp.int32)
        px = lax.bitcast_convert_type(((r[0] & lo16) << 16) | (r[1] & lo16), jnp.float32)
        py = lax.bitcast_convert_type(((r[2] & lo16) << 16) | (r[3] & lo16), jnp.float32)
        pz = lax.bitcast_convert_type(((r[4] & lo16) << 16) | (r[5] & lo16), jnp.float32)
        pxb = jnp.broadcast_to(px, (B, 128))
        pyb = jnp.broadcast_to(py, (B, 128))
        pzb = jnp.broadcast_to(pz, (B, 128))

        t = lax.rem(j, 128)
        buf = jnp.where(lane_c == t, idxv + row_base, buf)

        @pl.when(t == 127)
        def _flush():
            out_ref[:, pl.ds(pl.multiple_of(j - 127, 128), 128)] = buf

        return pxb, pyb, pzb, buf

    lax.fori_loop(
        1,
        npoint,
        body,
        (
            jnp.broadcast_to(x[:, 0:1], (B, 128)),
            jnp.broadcast_to(y[:, 0:1], (B, 128)),
            jnp.broadcast_to(z[:, 0:1], (B, 128)),
            buf0,
        ),
    )


def _mds_indices(x, y, z, s2):
    B, _ = x.shape
    npoint = x.shape[1] // 2
    return pl.pallas_call(
        _mds_body,
        out_shape=jax.ShapeDtypeStruct((B, npoint), jnp.int32),
        scratch_shapes=[pltpu.VMEM((B, x.shape[1]), jnp.float32)],
    )(x, y, z, s2)


def _make_sc_gather(num_rows, row_words, num_idx):
    info = plsc.get_sparse_core_info()
    nw = info.num_cores * info.num_subcores
    chunk = 128
    assert num_idx % (nw * chunk) == 0
    per_w = num_idx // nw
    n_chunks = per_w // chunk
    mesh = plsc.VectorSubcoreMesh(core_axis_name="c", subcore_axis_name="s")

    @functools.partial(
        pl.kernel,
        mesh=mesh,
        out_type=jax.ShapeDtypeStruct((num_idx, row_words), jnp.float32),
        compiler_params=pltpu.CompilerParams(use_tc_tiling_on_sc=False),
        scratch_types=[
            pltpu.VMEM((n_chunks, chunk), jnp.int32),
            pltpu.VMEM((per_w, row_words), jnp.float32),
            pltpu.SemaphoreType.DMA,
        ],
    )
    def gather_k(table_hbm, idx_hbm, out_hbm, idx_v, rows_v, sem):
        wid = lax.axis_index("s") * info.num_cores + lax.axis_index("c")
        base = wid * per_w
        pltpu.sync_copy(idx_hbm.at[pl.ds(wid * n_chunks, n_chunks)], idx_v)
        for k in range(n_chunks):
            pltpu.async_copy(
                table_hbm.at[idx_v.at[k]],
                rows_v.at[pl.ds(k * chunk, chunk)],
                sem,
            )
        for k in range(n_chunks):
            pltpu.make_async_copy(
                table_hbm.at[idx_v.at[k]],
                rows_v.at[pl.ds(k * chunk, chunk)],
                sem,
            ).wait()
        pltpu.sync_copy(rows_v, out_hbm.at[pl.ds(base, per_w)])

    return gather_k


def kernel(partial, outs, out1_feat, mean_mst_dis):
    B, _, M = partial.shape
    N = outs.shape[2]
    C = out1_feat.shape[1]
    n = N + M
    F = 3 + C + 1
    Fp = (F + 7) // 8 * 8

    x = jnp.concatenate([outs[:, 0, :], partial[:, 0, :]], axis=1)
    y = jnp.concatenate([outs[:, 1, :], partial[:, 1, :]], axis=1)
    z = jnp.concatenate([outs[:, 2, :], partial[:, 2, :]], axis=1)
    s2 = (mean_mst_dis * mean_mst_dis)[:, None]

    gidx = _mds_indices(x, y, z, s2)

    top = jnp.concatenate(
        [
            jnp.transpose(outs, (0, 2, 1)),
            jnp.transpose(out1_feat, (0, 2, 1)),
            jnp.ones((B, N, 1), jnp.float32),
            jnp.zeros((B, N, Fp - F), jnp.float32),
        ],
        axis=2,
    )
    bot = jnp.concatenate(
        [
            jnp.transpose(partial, (0, 2, 1)),
            jnp.zeros((B, M, Fp - 3), jnp.float32),
        ],
        axis=2,
    )
    table = jnp.concatenate([top, bot], axis=1).reshape(B * n, Fp)

    rows = _make_sc_gather(B * n, Fp, B * N)(table, gidx.reshape(-1, 128))
    return jnp.transpose(rows.reshape(B, N, Fp), (0, 2, 1))[:, :F, :]

# --- scband reference (transcript-rebuilt; emitter-appended) ---
"""Pipeline reference for scband-ray-cls-sample-8727373546151 (READ-ONLY COPY).

The authoritative reference and input builder live on the scoring server;
editing this copy changes nothing except your own understanding.
"""

import jax, jax.numpy as jnp
import numpy as np


def minimum_density_sample(xyz, npoint, mean_mst_dis):
    # xyz: [B, n, 3], mean_mst_dis: [B] -> idx: int32[B, npoint]
    B, n, _ = xyz.shape
    sigma2 = (mean_mst_dis * mean_mst_dis)[:, None]  # [B, 1]
    def body(j, state):
        density, idxs, old = state
        p = jnp.take_along_axis(xyz, old[:, None, None], axis=1)  # [B, 1, 3]
        d2 = jnp.sum((xyz - p) ** 2, axis=-1)  # [B, n]
        density = density + jnp.exp(-d2 / sigma2)
        new = jnp.argmin(density, axis=1).astype(jnp.int32)  # [B]
        idxs = idxs.at[:, j].set(new)
        return (density, idxs, new)
    density0 = jnp.zeros((B, n), dtype=xyz.dtype)
    idxs0 = jnp.zeros((B, npoint), dtype=jnp.int32)
    old0 = jnp.zeros((B,), dtype=jnp.int32)
    _, idxs, _ = jax.lax.fori_loop(1, npoint, body, (density0, idxs0, old0))
    return idxs


def gather_operation(features, idx):
    # features: [B, C, n], idx: int32[B, m] -> [B, C, m]
    return jnp.take_along_axis(features, idx[:, None, :], axis=2)


def setup_inputs(seed: int = 0) -> dict:
    key = jax.random.key(seed)
    k1, k2, k3, k4 = jax.random.split(key, 4)
    B, N, M, C = 8, 2048, 2048, 32
    partial = jax.random.normal(k1, (B, 3, M), dtype=jnp.float32)
    outs = jax.random.normal(k2, (B, 3, N), dtype=jnp.float32)
    out1_feat = jax.random.normal(k3, (B, C, N), dtype=jnp.float32)
    mean_mst_dis = jax.random.uniform(k4, (B,), dtype=jnp.float32) + 0.1
    return {"partial": partial, "outs": outs, "out1_feat": out1_feat, "mean_mst_dis": mean_mst_dis}


def reference(partial, outs, out1_feat, mean_mst_dis):
    gather1a = jnp.concatenate((outs, out1_feat), axis=1)
    id1a = jnp.ones((gather1a.shape[0], 1, gather1a.shape[2]), dtype=gather1a.dtype)
    gather1a = jnp.concatenate((gather1a, id1a), axis=1)
    idpar = jnp.zeros((partial.shape[0], 1 + out1_feat.shape[1], partial.shape[2]), dtype=partial.dtype)
    partial = jnp.concatenate((partial, idpar), axis=1)
    xx = jnp.concatenate((gather1a, partial), axis=2)
    xyz = jnp.transpose(xx[:, 0:3, :], (0, 2, 1))  # [B, N+M, 3]
    resampled_idx = jax.lax.stop_gradient(
        minimum_density_sample(xyz, outs.shape[2], mean_mst_dis))
    xx = gather_operation(xx, resampled_idx)
    return xx

if __name__ == "__main__":
    import jax
    _d = setup_inputs()
    print(jax.jit(kernel)(*tuple(_d.values())))

</pallas_src>

<mosaic_0001>
#map = affine_map<(d0, d1) -> (0, 0)>
module attributes {stable_mosaic.version = 14 : i64} {
  func.func @gather_k(%arg0: i32, %arg1: i32, %arg2: memref<32768x40xf32, #tpu.memory_space<hbm>>, %arg3: memref<128x128xi32, #tpu.memory_space<hbm>>, %arg4: memref<16384x40xf32, #tpu.memory_space<hbm>>, %arg5: memref<4x128xi32, #tpu.memory_space<vmem>>, %arg6: memref<512x40xf32, #tpu.memory_space<vmem>>, %arg7: memref<!tpu.dma_semaphore, #tpu.memory_space<semaphore_mem>>) attributes {dimension_semantics = [#tpu.dimension_semantics<core_parallel>, #tpu.dimension_semantics<subcore_parallel>], iteration_bounds = array<i64: 2, 16>, scalar_prefetch = 0 : i64, scratch_operands = 3 : i64, tpu.core_type = #tpu.core_type<sc_vector_subcore>, window_params = [{transform_indices = #map}, {transform_indices = #map}, {transform_indices = #map}]} {
    %mul3A = arith.constant 2 : i32
    %mul3A_0 = arith.muli %arg1, %mul3A : i32
    %add3A = arith.addi %mul3A_0, %arg0 : i32
    %mul3A_1 = arith.constant 512 : i32
    %mul3A_2 = arith.muli %add3A, %mul3A_1 : i32
    %mul3A_3 = arith.constant 4 : i32
    %mul3A_4 = arith.muli %add3A, %mul3A_3 : i32
    "tpu.region"() ({
      %run_scoped3A = tpu.sem_alloc : memref<!tpu.dma_semaphore, #tpu.memory_space<semaphore_mem>>
      %dma_start3A_83 = arith.constant 0 : i32
      %dma_start3A_84 = tpu.memref_slice %arg3[%mul3A_4, %dma_start3A_83] : memref<128x128xi32, #tpu.memory_space<hbm>> -> memref<4x128xi32, #tpu.memory_space<hbm>>
      %dma_start3A_85 = arith.constant 0 : i32
      %dma_start3A_86 = tpu.memref_slice %arg3[%mul3A_4, %dma_start3A_85] : memref<128x128xi32, #tpu.memory_space<hbm>> -> memref<4x128xi32, #tpu.memory_space<hbm>>
      tpu.enqueue_dma source(%dma_start3A_86 : memref<4x128xi32, #tpu.memory_space<hbm>>) target(%arg5 : memref<4x128xi32, #tpu.memory_space<vmem>>) target_semaphore(%run_scoped3A : memref<!tpu.dma_semaphore, #tpu.memory_space<semaphore_mem>>)
      %dma_wait3A_87 = arith.constant 0 : i32
      %dma_wait3A_88 = tpu.memref_slice %arg3[%mul3A_4, %dma_wait3A_87] : memref<128x128xi32, #tpu.memory_space<hbm>> -> memref<4x128xi32, #tpu.memory_space<hbm>>
      %dma_wait3A_89 = arith.constant 0 : i32
      %dma_wait3A_90 = tpu.memref_slice %arg3[%mul3A_4, %dma_wait3A_89] : memref<128x128xi32, #tpu.memory_space<hbm>> -> memref<4x128xi32, #tpu.memory_space<hbm>>
      tpu.wait_dma2 semaphore(%run_scoped3A : memref<!tpu.dma_semaphore, #tpu.memory_space<semaphore_mem>>) src(%dma_wait3A_90 : memref<4x128xi32, #tpu.memory_space<hbm>>) dst(%arg5 : memref<4x128xi32, #tpu.memory_space<vmem>>)
      tpu.yield
    }) : () -> ()
    %dma_start3A = arith.constant 0 : i32
    %dma_start3A_5 = arith.constant 0 : i32
    %dma_start3A_6 = arith.constant 0 : i32
    %dma_start3A_7 = tpu.memref_slice %arg6[%dma_start3A_5, %dma_start3A_6] : memref<512x40xf32, #tpu.memory_space<vmem>> -> memref<128x40xf32, #tpu.memory_space<vmem>>
    %dma_start3A_8 = arith.constant 0 : i32
    %dma_start3A_9 = tpu.memref_slice %arg5[%dma_start3A, %dma_start3A_8] : memref<4x128xi32, #tpu.memory_space<vmem>> -> memref<1x128xi32, #tpu.memory_space<vmem>>
    %dma_start3A_10 = tpu.memref_squeeze %dma_start3A_9 : memref<1x128xi32, #tpu.memory_space<vmem>> -> memref<128xi32, #tpu.memory_space<vmem>>
    %dma_start3A_11 = arith.constant 0 : i32
    %dma_start3A_12 = arith.constant 0 : i32
    %dma_start3A_13 = tpu.memref_slice %arg2[%dma_start3A_11, %dma_start3A_12] : memref<32768x40xf32, #tpu.memory_space<hbm>> -> memref<32768x40xf32, #tpu.memory_space<hbm>>
    tpu.enqueue_indirect_dma source(%dma_start3A_13 : memref<32768x40xf32, #tpu.memory_space<hbm>>) target(%dma_start3A_7 : memref<128x40xf32, #tpu.memory_space<vmem>>) offsets(%dma_start3A_10 : memref<128xi32, #tpu.memory_space<vmem>>) semaphore(%arg7 : memref<!tpu.dma_semaphore, #tpu.memory_space<semaphore_mem>>)
    %dma_start3A_14 = arith.constant 1 : i32
    %dma_start3A_15 = arith.constant 128 : i32
    %dma_start3A_16 = arith.constant 0 : i32
    %dma_start3A_17 = tpu.memref_slice %arg6[%dma_start3A_15, %dma_start3A_16] : memref<512x40xf32, #tpu.memory_space<vmem>> -> memref<128x40xf32, #tpu.memory_space<vmem>>
    %dma_start3A_18 = arith.constant 0 : i32
    %dma_start3A_19 = tpu.memref_slice %arg5[%dma_start3A_14, %dma_start3A_18] : memref<4x128xi32, #tpu.memory_space<vmem>> -> memref<1x128xi32, #tpu.memory_space<vmem>>
    %dma_start3A_20 = tpu.memref_squeeze %dma_start3A_19 : memref<1x128xi32, #tpu.memory_space<vmem>> -> memref<128xi32, #tpu.memory_space<vmem>>
    %dma_start3A_21 = arith.constant 0 : i32
    %dma_start3A_22 = arith.constant 0 : i32
    %dma_start3A_23 = tpu.memref_slice %arg2[%dma_start3A_21, %dma_start3A_22] : memref<32768x40xf32, #tpu.memory_space<hbm>> -> memref<32768x40xf32, #tpu.memory_space<hbm>>
    tpu.enqueue_indirect_dma source(%dma_start3A_23 : memref<32768x40xf32, #tpu.memory_space<hbm>>) target(%dma_start3A_17 : memref<128x40xf32, #tpu.memory_space<vmem>>) offsets(%dma_start3A_20 : memref<128xi32, #tpu.memory_space<vmem>>) semaphore(%arg7 : memref<!tpu.dma_semaphore, #tpu.memory_space<semaphore_mem>>)
    %dma_start3A_24 = arith.constant 2 : i32
    %dma_start3A_25 = arith.constant 256 : i32
    %dma_start3A_26 = arith.constant 0 : i32
    %dma_start3A_27 = tpu.memref_slice %arg6[%dma_start3A_25, %dma_start3A_26] : memref<512x40xf32, #tpu.memory_space<vmem>> -> memref<128x40xf32, #tpu.memory_space<vmem>>
    %dma_start3A_28 = arith.constant 0 : i32
    %dma_start3A_29 = tpu.memref_slice %arg5[%dma_start3A_24, %dma_start3A_28] : memref<4x128xi32, #tpu.memory_space<vmem>> -> memref<1x128xi32, #tpu.memory_space<vmem>>
    %dma_start3A_30 = tpu.memref_squeeze %dma_start3A_29 : memref<1x128xi32, #tpu.memory_space<vmem>> -> memref<128xi32, #tpu.memory_space<vmem>>
    %dma_start3A_31 = arith.constant 0 : i32
    %dma_start3A_32 = arith.constant 0 : i32
    %dma_start3A_33 = tpu.memref_slice %arg2[%dma_start3A_31, %dma_start3A_32] : memref<32768x40xf32, #tpu.memory_space<hbm>> -> memref<32768x40xf32, #tpu.memory_space<hbm>>
    tpu.enqueue_indirect_dma source(%dma_start3A_33 : memref<32768x40xf32, #tpu.memory_space<hbm>>) target(%dma_start3A_27 : memref<128x40xf32, #tpu.memory_space<vmem>>) offsets(%dma_start3A_30 : memref<128xi32, #tpu.memory_space<vmem>>) semaphore(%arg7 : memref<!tpu.dma_semaphore, #tpu.memory_space<semaphore_mem>>)
    %dma_start3A_34 = arith.constant 3 : i32
    %dma_start3A_35 = arith.constant 384 : i32
    %dma_start3A_36 = arith.constant 0 : i32
    %dma_start3A_37 = tpu.memref_slice %arg6[%dma_start3A_35, %dma_start3A_36] : memref<512x40xf32, #tpu.memory_space<vmem>> -> memref<128x40xf32, #tpu.memory_space<vmem>>
    %dma_start3A_38 = arith.constant 0 : i32
    %dma_start3A_39 = tpu.memref_slice %arg5[%dma_start3A_34, %dma_start3A_38] : memref<4x128xi32, #tpu.memory_space<vmem>> -> memref<1x128xi32, #tpu.memory_space<vmem>>
    %dma_start3A_40 = tpu.memref_squeeze %dma_start3A_39 : memref<1x128xi32, #tpu.memory_space<vmem>> -> memref<128xi32, #tpu.memory_space<vmem>>
    %dma_start3A_41 = arith.constant 0 : i32
    %dma_start3A_42 = arith.constant 0 : i32
    %dma_start3A_43 = tpu.memref_slice %arg2[%dma_start3A_41, %dma_start3A_42] : memref<32768x40xf32, #tpu.memory_space<hbm>> -> memref<32768x40xf32, #tpu.memory_space<hbm>>
    tpu.enqueue_indirect_dma source(%dma_start3A_43 : memref<32768x40xf32, #tpu.memory_space<hbm>>) target(%dma_start3A_37 : memref<128x40xf32, #tpu.memory_space<vmem>>) offsets(%dma_start3A_40 : memref<128xi32, #tpu.memory_space<vmem>>) semaphore(%arg7 : memref<!tpu.dma_semaphore, #tpu.memory_space<semaphore_mem>>)
    %dma_wait3A = arith.constant 0 : i32
    %dma_wait3A_44 = arith.constant 0 : i32
    %dma_wait3A_45 = arith.constant 0 : i32
    %dma_wait3A_46 = tpu.memref_slice %arg6[%dma_wait3A_44, %dma_wait3A_45] : memref<512x40xf32, #tpu.memory_space<vmem>> -> memref<128x40xf32, #tpu.memory_space<vmem>>
    %dma_wait3A_47 = arith.constant 0 : i32
    %dma_wait3A_48 = tpu.memref_slice %arg5[%dma_wait3A, %dma_wait3A_47] : memref<4x128xi32, #tpu.memory_space<vmem>> -> memref<1x128xi32, #tpu.memory_space<vmem>>
    %dma_wait3A_49 = tpu.memref_squeeze %dma_wait3A_48 : memref<1x128xi32, #tpu.memory_space<vmem>> -> memref<128xi32, #tpu.memory_space<vmem>>
    %dma_wait3A_50 = arith.constant 0 : i32
    %dma_wait3A_51 = arith.constant 0 : i32
    %dma_wait3A_52 = tpu.memref_slice %arg2[%dma_wait3A_50, %dma_wait3A_51] : memref<32768x40xf32, #tpu.memory_space<hbm>> -> memref<32768x40xf32, #tpu.memory_space<hbm>>
    tpu.wait_indirect_dma semaphore(%arg7 : memref<!tpu.dma_semaphore, #tpu.memory_space<semaphore_mem>>) src(%dma_wait3A_52 : memref<32768x40xf32, #tpu.memory_space<hbm>>) dst(%dma_wait3A_46 : memref<128x40xf32, #tpu.memory_space<vmem>>)
    %dma_wait3A_53 = arith.constant 1 : i32
    %dma_wait3A_54 = arith.constant 128 : i32
    %dma_wait3A_55 = arith.constant 0 : i32
    %dma_wait3A_56 = tpu.memref_slice %arg6[%dma_wait3A_54, %dma_wait3A_55] : memref<512x40xf32, #tpu.memory_space<vmem>> -> memref<128x40xf32, #tpu.memory_space<vmem>>
    %dma_wait3A_57 = arith.constant 0 : i32
    %dma_wait3A_58 = tpu.memref_slice %arg5[%dma_wait3A_53, %dma_wait3A_57] : memref<4x128xi32, #tpu.memory_space<vmem>> -> memref<1x128xi32, #tpu.memory_space<vmem>>
    %dma_wait3A_59 = tpu.memref_squeeze %dma_wait3A_58 : memref<1x128xi32, #tpu.memory_space<vmem>> -> memref<128xi32, #tpu.memory_space<vmem>>
    %dma_wait3A_60 = arith.constant 0 : i32
    %dma_wait3A_61 = arith.constant 0 : i32
    %dma_wait3A_62 = tpu.memref_slice %arg2[%dma_wait3A_60, %dma_wait3A_61] : memref<32768x40xf32, #tpu.memory_space<hbm>> -> memref<32768x40xf32, #tpu.memory_space<hbm>>
    tpu.wait_indirect_dma semaphore(%arg7 : memref<!tpu.dma_semaphore, #tpu.memory_space<semaphore_mem>>) src(%dma_wait3A_62 : memref<32768x40xf32, #tpu.memory_space<hbm>>) dst(%dma_wait3A_56 : memref<128x40xf32, #tpu.memory_space<vmem>>)
    %dma_wait3A_63 = arith.constant 2 : i32
    %dma_wait3A_64 = arith.constant 256 : i32
    %dma_wait3A_65 = arith.constant 0 : i32
    %dma_wait3A_66 = tpu.memref_slice %arg6[%dma_wait3A_64, %dma_wait3A_65] : memref<512x40xf32, #tpu.memory_space<vmem>> -> memref<128x40xf32, #tpu.memory_space<vmem>>
    %dma_wait3A_67 = arith.constant 0 : i32
    %dma_wait3A_68 = tpu.memref_slice %arg5[%dma_wait3A_63, %dma_wait3A_67] : memref<4x128xi32, #tpu.memory_space<vmem>> -> memref<1x128xi32, #tpu.memory_space<vmem>>
    %dma_wait3A_69 = tpu.memref_squeeze %dma_wait3A_68 : memref<1x128xi32, #tpu.memory_space<vmem>> -> memref<128xi32, #tpu.memory_space<vmem>>
    %dma_wait3A_70 = arith.constant 0 : i32
    %dma_wait3A_71 = arith.constant 0 : i32
    %dma_wait3A_72 = tpu.memref_slice %arg2[%dma_wait3A_70, %dma_wait3A_71] : memref<32768x40xf32, #tpu.memory_space<hbm>> -> memref<32768x40xf32, #tpu.memory_space<hbm>>
    tpu.wait_indirect_dma semaphore(%arg7 : memref<!tpu.dma_semaphore, #tpu.memory_space<semaphore_mem>>) src(%dma_wait3A_72 : memref<32768x40xf32, #tpu.memory_space<hbm>>) dst(%dma_wait3A_66 : memref<128x40xf32, #tpu.memory_space<vmem>>)
    %dma_wait3A_73 = arith.constant 3 : i32
    %dma_wait3A_74 = arith.constant 384 : i32
    %dma_wait3A_75 = arith.constant 0 : i32
    %dma_wait3A_76 = tpu.memref_slice %arg6[%dma_wait3A_74, %dma_wait3A_75] : memref<512x40xf32, #tpu.memory_space<vmem>> -> memref<128x40xf32, #tpu.memory_space<vmem>>
    %dma_wait3A_77 = arith.constant 0 : i32
    %dma_wait3A_78 = tpu.memref_slice %arg5[%dma_wait3A_73, %dma_wait3A_77] : memref<4x128xi32, #tpu.memory_space<vmem>> -> memref<1x128xi32, #tpu.memory_space<vmem>>
    %dma_wait3A_79 = tpu.memref_squeeze %dma_wait3A_78 : memref<1x128xi32, #tpu.memory_space<vmem>> -> memref<128xi32, #tpu.memory_space<vmem>>
    %dma_wait3A_80 = arith.constant 0 : i32
    %dma_wait3A_81 = arith.constant 0 : i32
    %dma_wait3A_82 = tpu.memref_slice %arg2[%dma_wait3A_80, %dma_wait3A_81] : memref<32768x40xf32, #tpu.memory_space<hbm>> -> memref<32768x40xf32, #tpu.memory_space<hbm>>
    tpu.wait_indirect_dma semaphore(%arg7 : memref<!tpu.dma_semaphore, #tpu.memory_space<semaphore_mem>>) src(%dma_wait3A_82 : memref<32768x40xf32, #tpu.memory_space<hbm>>) dst(%dma_wait3A_76 : memref<128x40xf32, #tpu.memory_space<vmem>>)
    "tpu.region"() ({
      %run_scoped3A = tpu.sem_alloc : memref<!tpu.dma_semaphore, #tpu.memory_space<semaphore_mem>>
      %dma_start3A_83 = arith.constant 0 : i32
      %dma_start3A_84 = tpu.memref_slice %arg4[%mul3A_2, %dma_start3A_83] : memref<16384x40xf32, #tpu.memory_space<hbm>> -> memref<512x40xf32, #tpu.memory_space<hbm>>
      %dma_start3A_85 = arith.constant 0 : i32
      %dma_start3A_86 = tpu.memref_slice %arg4[%mul3A_2, %dma_start3A_85] : memref<16384x40xf32, #tpu.memory_space<hbm>> -> memref<512x40xf32, #tpu.memory_space<hbm>>
      tpu.enqueue_dma source(%arg6 : memref<512x40xf32, #tpu.memory_space<vmem>>) target(%dma_start3A_86 : memref<512x40xf32, #tpu.memory_space<hbm>>) target_semaphore(%run_scoped3A : memref<!tpu.dma_semaphore, #tpu.memory_space<semaphore_mem>>)
      %dma_wait3A_87 = arith.constant 0 : i32
      %dma_wait3A_88 = tpu.memref_slice %arg4[%mul3A_2, %dma_wait3A_87] : memref<16384x40xf32, #tpu.memory_space<hbm>> -> memref<512x40xf32, #tpu.memory_space<hbm>>
      %dma_wait3A_89 = arith.constant 0 : i32
      %dma_wait3A_90 = tpu.memref_slice %arg4[%mul3A_2, %dma_wait3A_89] : memref<16384x40xf32, #tpu.memory_space<hbm>> -> memref<512x40xf32, #tpu.memory_space<hbm>>
      tpu.wait_dma2 semaphore(%run_scoped3A : memref<!tpu.dma_semaphore, #tpu.memory_space<semaphore_mem>>) src(%arg6 : memref<512x40xf32, #tpu.memory_space<vmem>>) dst(%dma_wait3A_90 : memref<512x40xf32, #tpu.memory_space<hbm>>)
      tpu.yield
    }) : () -> ()
    return
  }
}

module attributes {stable_mosaic.version = 14 : i64} {
  func.func @_mds_body(%arg0: memref<8x4096xf32, #tpu.memory_space<vmem>>, %arg1: memref<8x4096xf32, #tpu.memory_space<vmem>>, %arg2: memref<8x4096xf32, #tpu.memory_space<vmem>>, %arg3: memref<8x1xf32, #tpu.memory_space<vmem>>, %arg4: memref<8x2048xi32, #tpu.memory_space<vmem>>, %arg5: memref<8x4096xf32, #tpu.memory_space<vmem>>) attributes {dimension_semantics = [], scalar_prefetch = 0 : i64, scratch_operands = 1 : i64, tpu.core_type = #tpu.core_type<tc>} {
    %get3A = arith.constant 0 : index
    %get3A_0 = arith.constant 0 : index
    %get3A_1 = vector.load %arg0[%get3A, %get3A_0] : memref<8x4096xf32, #tpu.memory_space<vmem>>, vector<8x4096xf32>
    %get3A_2 = arith.constant 0 : index
    %get3A_3 = arith.constant 0 : index
    %get3A_4 = vector.load %arg1[%get3A_2, %get3A_3] : memref<8x4096xf32, #tpu.memory_space<vmem>>, vector<8x4096xf32>
    %get3A_5 = arith.constant 0 : index
    %get3A_6 = arith.constant 0 : index
    %get3A_7 = vector.load %arg2[%get3A_5, %get3A_6] : memref<8x4096xf32, #tpu.memory_space<vmem>>, vector<8x4096xf32>
    %get3A_8 = arith.constant 0 : index
    %get3A_9 = arith.constant 0 : index
    %get3A_10 = vector.load %arg3[%get3A_8, %get3A_9] : memref<8x1xf32, #tpu.memory_space<vmem>>, vector<8x1xf32>
    %iota3A = tpu.iota {dimensions = array<i32: 1>} : vector<8x128xi32>
    %iota3A_11 = tpu.iota {dimensions = array<i32: 0>} : vector<8x1xi32>
    %mul3A = arith.constant 4096 : i32
    %mul3A_12 = vector.broadcast %mul3A : i32 to vector<8x1xi32>
    %mul3A_13 = arith.muli %iota3A_11, %mul3A_12 : vector<8x1xi32>
    %broadcast_in_dim3A = arith.constant 0.000000e+00 : f32
    %broadcast_in_dim3A_14 = vector.broadcast %broadcast_in_dim3A : f32 to vector<8x4096xf32>
    %swap3A = arith.constant 0 : index
    %swap3A_15 = arith.constant 0 : index
    %swap3A_16 = vector.load %arg5[%swap3A, %swap3A_15] : memref<8x4096xf32, #tpu.memory_space<vmem>>, vector<8x4096xf32>
    tpu.vector_store %arg5[%swap3A, %swap3A_15], %broadcast_in_dim3A_14 {strides = array<i32>} : memref<8x4096xf32, #tpu.memory_space<vmem>>, vector<8x4096xf32>,
    %eq3A = arith.constant 0 : i32
    %eq3A_17 = vector.broadcast %eq3A : i32 to vector<8x128xi32>
    %eq3A_18 = arith.cmpi eq, %iota3A, %eq3A_17 : vector<8x128xi32>
    %jit3A = arith.constant 0 : i32
    %broadcast_in_dim3A_19 = vector.shape_cast %mul3A_13 : vector<8x1xi32> to vector<8x1xi32>
    %broadcast_in_dim3A_20 = vector.broadcast %broadcast_in_dim3A_19 : vector<8x1xi32> to vector<8x128xi32>
    %broadcast_in_dim3A_21 = vector.broadcast %jit3A : i32 to vector<8x128xi32>
    %select_n3A = arith.select %eq3A_18, %broadcast_in_dim3A_20, %broadcast_in_dim3A_21 : vector<8x128xi1>, vector<8x128xi32>
    %slice3A = vector.extract_strided_slice %get3A_1 {offsets = [0, 0], sizes = [8, 128], strides = [1, 1]} : vector<8x4096xf32> to vector<8x128xf32>
    %slice3A_22 = vector.extract_strided_slice %get3A_1 {offsets = [0, 128], sizes = [8, 128], strides = [1, 1]} : vector<8x4096xf32> to vector<8x128xf32>
    %slice3A_23 = vector.extract_strided_slice %get3A_1 {offsets = [0, 256], sizes = [8, 128], strides = [1, 1]} : vector<8x4096xf32> to vector<8x128xf32>
    %slice3A_24 = vector.extract_strided_slice %get3A_1 {offsets = [0, 384], sizes = [8, 128], strides = [1, 1]} : vector<8x4096xf32> to vector<8x128xf32>
    %slice3A_25 = vector.extract_strided_slice %get3A_1 {offsets = [0, 512], sizes = [8, 128], strides = [1, 1]} : vector<8x4096xf32> to vector<8x128xf32>
    %slice3A_26 = vector.extract_strided_slice %get3A_1 {offsets = [0, 640], sizes = [8, 128], strides = [1, 1]} : vector<8x4096xf32> to vector<8x128xf32>
    %slice3A_27 = vector.extract_strided_slice %get3A_1 {offsets = [0, 768], sizes = [8, 128], strides = [1, 1]} : vector<8x4096xf32> to vector<8x128xf32>
    %slice3A_28 = vector.extract_strided_slice %get3A_1 {offsets = [0, 896], sizes = [8, 128], strides = [1, 1]} : vector<8x4096xf32> to vector<8x128xf32>
    %slice3A_29 = vector.extract_strided_slice %get3A_1 {offsets = [0, 1024], sizes = [8, 128], strides = [1, 1]} : vector<8x4096xf32> to vector<8x128xf32>
    %slice3A_30 = vector.extract_strided_slice %get3A_1 {offsets = [0, 1152], sizes = [8, 128], strides = [1, 1]} : vector<8x4096xf32> to vector<8x128xf32>
    %slice3A_31 = vector.extract_strided_slice %get3A_1 {offsets = [0, 1280], sizes = [8, 128], strides = [1, 1]} : vector<8x4096xf32> to vector<8x128xf32>
    %slice3A_32 = vector.extract_strided_slice %get3A_1 {offsets = [0, 1408], sizes = [8, 128], strides = [1, 1]} : vector<8x4096xf32> to vector<8x128xf32>
    %slice3A_33 = vector.extract_strided_slice %get3A_1 {offsets = [0, 1536], sizes = [8, 128], strides = [1, 1]} : vector<8x4096xf32> to vector<8x128xf32>
    %slice3A_34 = vector.extract_strided_slice %get3A_1 {offsets = [0, 1664], sizes = [8, 128], strides = [1, 1]} : vector<8x4096xf32> to vector<8x128xf32>
    %slice3A_35 = vector.extract_strided_slice %get3A_1 {offsets = [0, 1792], sizes = [8, 128], strides = [1, 1]} : vector<8x4096xf32> to vector<8x128xf32>
    %slice3A_36 = vector.extract_strided_slice %get3A_1 {offsets = [0, 1920], sizes = [8, 128], strides = [1, 1]} : vector<8x4096xf32> to vector<8x128xf32>
    %slice3A_37 = vector.extract_strided_slice %get3A_1 {offsets = [0, 2048], sizes = [8, 128], strides = [1, 1]} : vector<8x4096xf32> to vector<8x128xf32>
    %slice3A_38 = vector.extract_strided_slice %get3A_1 {offsets = [0, 2176], sizes = [8, 128], strides = [1, 1]} : vector<8x4096xf32> to vector<8x128xf32>
    %slice3A_39 = vector.extract_strided_slice %get3A_1 {offsets = [0, 2304], sizes = [8, 128], strides = [1, 1]} : vector<8x4096xf32> to vector<8x128xf32>
    %slice3A_40 = vector.extract_strided_slice %get3A_1 {offsets = [0, 2432], sizes = [8, 128], strides = [1, 1]} : vector<8x4096xf32> to vector<8x128xf32>
    %slice3A_41 = vector.extract_strided_slice %get3A_1 {offsets = [0, 2560], sizes = [8, 128], strides = [1, 1]} : vector<8x4096xf32> to vector<8x128xf32>
    %slice3A_42 = vector.extract_strided_slice %get3A_1 {offsets = [0, 2688], sizes = [8, 128], strides = [1, 1]} : vector<8x4096xf32> to vector<8x128xf32>
    %slice3A_43 = vector.extract_strided_slice %get3A_1 {offsets = [0, 2816], sizes = [8, 128], strides = [1, 1]} : vector<8x4096xf32> to vector<8x128xf32>
    %slice3A_44 = vector.extract_strided_slice %get3A_1 {offsets = [0, 2944], sizes = [8, 128], strides = [1, 1]} : vector<8x4096xf32> to vector<8x128xf32>
    %slice3A_45 = vector.extract_strided_slice %get3A_1 {offsets = [0, 3072], sizes = [8, 128], strides = [1, 1]} : vector<8x4096xf32> to vector<8x128xf32>
    %slice3A_46 = vector.extract_strided_slice %get3A_1 {offsets = [0, 3200], sizes = [8, 128], strides = [1, 1]} : vector<8x4096xf32> to vector<8x128xf32>
    %slice3A_47 = vector.extract_strided_slice %get3A_1 {offsets = [0, 3328], sizes = [8, 128], strides = [1, 1]} : vector<8x4096xf32> to vector<8x128xf32>
    %slice3A_48 = vector.extract_strided_slice %get3A_1 {offsets = [0, 3456], sizes = [8, 128], strides = [1, 1]} : vector<8x4096xf32> to vector<8x128xf32>
    %slice3A_49 = vector.extract_strided_slice %get3A_1 {offsets = [0, 3584], sizes = [8, 128], strides = [1, 1]} : vector<8x4096xf32> to vector<8x128xf32>
    %slice3A_50 = vector.extract_strided_slice %get3A_1 {offsets = [0, 3712], sizes = [8, 128], strides = [1, 1]} : vector<8x4096xf32> to vector<8x128xf32>
    %slice3A_51 = vector.extract_strided_slice %get3A_1 {offsets = [0, 3840], sizes = [8, 128], strides = [1, 1]} : vector<8x4096xf32> to vector<8x128xf32>
    %slice3A_52 = vector.extract_strided_slice %get3A_1 {offsets = [0, 3968], sizes = [8, 128], strides = [1, 1]} : vector<8x4096xf32> to vector<8x128xf32>
    %slice3A_53 = vector.extract_strided_slice %get3A_4 {offsets = [0, 0], sizes = [8, 128], strides = [1, 1]} : vector<8x4096xf32> to vector<8x128xf32>
    %slice3A_54 = vector.extract_strided_slice %get3A_4 {offsets = [0, 128], sizes = [8, 128], strides = [1, 1]} : vector<8x4096xf32> to vector<8x128xf32>
    %slice3A_55 = vector.extract_strided_slice %get3A_4 {offsets = [0, 256], sizes = [8, 128], strides = [1, 1]} : vector<8x4096xf32> to vector<8x128xf32>
    %slice3A_56 = vector.extract_strided_slice %get3A_4 {offsets = [0, 384], sizes = [8, 128], strides = [1, 1]} : vector<8x4096xf32> to vector<8x128xf32>
    %slice3A_57 = vector.extract_strided_slice %get3A_4 {offsets = [0, 512], sizes = [8, 128], strides = [1, 1]} : vector<8x4096xf32> to vector<8x128xf32>
    %slice3A_58 = vector.extract_strided_slice %get3A_4 {offsets = [0, 640], sizes = [8, 128], strides = [1, 1]} : vector<8x4096xf32> to vector<8x128xf32>
    %slice3A_59 = vector.extract_strided_slice %get3A_4 {offsets = [0, 768], sizes = [8, 128], strides = [1, 1]} : vector<8x4096xf32> to vector<8x128xf32>
    %slice3A_60 = vector.extract_strided_slice %get3A_4 {offsets = [0, 896], sizes = [8, 128], strides = [1, 1]} : vector<8x4096xf32> to vector<8x128xf32>
    %slice3A_61 = vector.extract_strided_slice %get3A_4 {offsets = [0, 1024], sizes = [8, 128], strides = [1, 1]} : vector<8x4096xf32> to vector<8x128xf32>
    %slice3A_62 = vector.extract_strided_slice %get3A_4 {offsets = [0, 1152], sizes = [8, 128], strides = [1, 1]} : vector<8x4096xf32> to vector<8x128xf32>
    %slice3A_63 = vector.extract_strided_slice %get3A_4 {offsets = [0, 1280], sizes = [8, 128], strides = [1, 1]} : vector<8x4096xf32> to vector<8x128xf32>
    %slice3A_64 = vector.extract_strided_slice %get3A_4 {offsets = [0, 1408], sizes = [8, 128], strides = [1, 1]} : vector<8x4096xf32> to vector<8x128xf32>
    %slice3A_65 = vector.extract_strided_slice %get3A_4 {offsets = [0, 1536], sizes = [8, 128], strides = [1, 1]} : vector<8x4096xf32> to vector<8x128xf32>
    %slice3A_66 = vector.extract_strided_slice %get3A_4 {offsets = [0, 1664], sizes = [8, 128], strides = [1, 1]} : vector<8x4096xf32> to vector<8x128xf32>
    %slice3A_67 = vector.extract_strided_slice %get3A_4 {offsets = [0, 1792], sizes = [8, 128], strides = [1, 1]} : vector<8x4096xf32> to vector<8x128xf32>
    %slice3A_68 = vector.extract_strided_slice %get3A_4 {offsets = [0, 1920], sizes = [8, 128], strides = [1, 1]} : vector<8x4096xf32> to vector<8x128xf32>
    %slice3A_69 = vector.extract_strided_slice %get3A_4 {offsets = [0, 2048], sizes = [8, 128], strides = [1, 1]} : vector<8x4096xf32> to vector<8x128xf32>
    %slice3A_70 = vector.extract_strided_slice %get3A_4 {offsets = [0, 2176], sizes = [8, 128], strides = [1, 1]} : vector<8x4096xf32> to vector<8x128xf32>
    %slice3A_71 = vector.extract_strided_slice %get3A_4 {offsets = [0, 2304], sizes = [8, 128], strides = [1, 1]} : vector<8x4096xf32> to vector<8x128xf32>
    %slice3A_72 = vector.extract_strided_slice %get3A_4 {offsets = [0, 2432], sizes = [8, 128], strides = [1, 1]} : vector<8x4096xf32> to vector<8x128xf32>
    %slice3A_73 = vector.extract_strided_slice %get3A_4 {offsets = [0, 2560], sizes = [8, 128], strides = [1, 1]} : vector<8x4096xf32> to vector<8x128xf32>
    %slice3A_74 = vector.extract_strided_slice %get3A_4 {offsets = [0, 2688], sizes = [8, 128], strides = [1, 1]} : vector<8x4096xf32> to vector<8x128xf32>
    %slice3A_75 = vector.extract_strided_slice %get3A_4 {offsets = [0, 2816], sizes = [8, 128], strides = [1, 1]} : vector<8x4096xf32> to vector<8x128xf32>
    %slice3A_76 = vector.extract_strided_slice %get3A_4 {offsets = [0, 2944], sizes = [8, 128], strides = [1, 1]} : vector<8x4096xf32> to vector<8x128xf32>
    %slice3A_77 = vector.extract_strided_slice %get3A_4 {offsets = [0, 3072], sizes = [8, 128], strides = [1, 1]} : vector<8x4096xf32> to vector<8x128xf32>
    %slice3A_78 = vector.extract_strided_slice %get3A_4 {offsets = [0, 3200], sizes = [8, 128], strides = [1, 1]} : vector<8x4096xf32> to vector<8x128xf32>
    %slice3A_79 = vector.extract_strided_slice %get3A_4 {offsets = [0, 3328], sizes = [8, 128], strides = [1, 1]} : vector<8x4096xf32> to vector<8x128xf32>
    %slice3A_80 = vector.extract_strided_slice %get3A_4 {offsets = [0, 3456], sizes = [8, 128], strides = [1, 1]} : vector<8x4096xf32> to vector<8x128xf32>
    %slice3A_81 = vector.extract_strided_slice %get3A_4 {offsets = [0, 3584], sizes = [8, 128], strides = [1, 1]} : vector<8x4096xf32> to vector<8x128xf32>
    %slice3A_82 = vector.extract_strided_slice %get3A_4 {offsets = [0, 3712], sizes = [8, 128], strides = [1, 1]} : vector<8x4096xf32> to vector<8x128xf32>
    %slice3A_83 = vector.extract_strided_slice %get3A_4 {offsets = [0, 3840], sizes = [8, 128], strides = [1, 1]} : vector<8x4096xf32> to vector<8x128xf32>
    %slice3A_84 = vector.extract_strided_slice %get3A_4 {offsets = [0, 3968], sizes = [8, 128], strides = [1, 1]} : vector<8x4096xf32> to vector<8x128xf32>
    %slice3A_85 = vector.extract_strided_slice %get3A_7 {offsets = [0, 0], sizes = [8, 128], strides = [1, 1]} : vector<8x4096xf32> to vector<8x128xf32>
    %slice3A_86 = vector.extract_strided_slice %get3A_7 {offsets = [0, 128], sizes = [8, 128], strides = [1, 1]} : vector<8x4096xf32> to vector<8x128xf32>
    %slice3A_87 = vector.extract_strided_slice %get3A_7 {offsets = [0, 256], sizes = [8, 128], strides = [1, 1]} : vector<8x4096xf32> to vector<8x128xf32>
    %slice3A_88 = vector.extract_strided_slice %get3A_7 {offsets = [0, 384], sizes = [8, 128], strides = [1, 1]} : vector<8x4096xf32> to vector<8x128xf32>
    %slice3A_89 = vector.extract_strided_slice %get3A_7 {offsets = [0, 512], sizes = [8, 128], strides = [1, 1]} : vector<8x4096xf32> to vector<8x128xf32>
    %slice3A_90 = vector.extract_strided_slice %get3A_7 {offsets = [0, 640], sizes = [8, 128], strides = [1, 1]} : vector<8x4096xf32> to vector<8x128xf32>
    %slice3A_91 = vector.extract_strided_slice %get3A_7 {offsets = [0, 768], sizes = [8, 128], strides = [1, 1]} : vector<8x4096xf32> to vector<8x128xf32>
    %slice3A_92 = vector.extract_strided_slice %get3A_7 {offsets = [0, 896], sizes = [8, 128], strides = [1, 1]} : vector<8x4096xf32> to vector<8x128xf32>
    %slice3A_93 = vector.extract_strided_slice %get3A_7 {offsets = [0, 1024], sizes = [8, 128], strides = [1, 1]} : vector<8x4096xf32> to vector<8x128xf32>
    %slice3A_94 = vector.extract_strided_slice %get3A_7 {offsets = [0, 1152], sizes = [8, 128], strides = [1, 1]} : vector<8x4096xf32> to vector<8x128xf32>
    %slice3A_95 = vector.extract_strided_slice %get3A_7 {offsets = [0, 1280], sizes = [8, 128], strides = [1, 1]} : vector<8x4096xf32> to vector<8x128xf32>
    %slice3A_96 = vector.extract_strided_slice %get3A_7 {offsets = [0, 1408], sizes = [8, 128], strides = [1, 1]} : vector<8x4096xf32> to vector<8x128xf32>
    %slice3A_97 = vector.extract_strided_slice %get3A_7 {offsets = [0, 1536], sizes = [8, 128], strides = [1, 1]} : vector<8x4096xf32> to vector<8x128xf32>
    %slice3A_98 = vector.extract_strided_slice %get3A_7 {offsets = [0, 1664], sizes = [8, 128], strides = [1, 1]} : vector<8x4096xf32> to vector<8x128xf32>
    %slice3A_99 = vector.extract_strided_slice %get3A_7 {offsets = [0, 1792], sizes = [8, 128], strides = [1, 1]} : vector<8x4096xf32> to vector<8x128xf32>
    %slice3A_100 = vector.extract_strided_slice %get3A_7 {offsets = [0, 1920], sizes = [8, 128], strides = [1, 1]} : vector<8x4096xf32> to vector<8x128xf32>
    %slice3A_101 = vector.extract_strided_slice %get3A_7 {offsets = [0, 2048], sizes = [8, 128], strides = [1, 1]} : vector<8x4096xf32> to vector<8x128xf32>
    %slice3A_102 = vector.extract_strided_slice %get3A_7 {offsets = [0, 2176], sizes = [8, 128], strides = [1, 1]} : vector<8x4096xf32> to vector<8x128xf32>
    %slice3A_103 = vector.extract_strided_slice %get3A_7 {offsets = [0, 2304], sizes = [8, 128], strides = [1, 1]} : vector<8x4096xf32> to vector<8x128xf32>
    %slice3A_104 = vector.extract_strided_slice %get3A_7 {offsets = [0, 2432], sizes = [8, 128], strides = [1, 1]} : vector<8x4096xf32> to vector<8x128xf32>
    %slice3A_105 = vector.extract_strided_slice %get3A_7 {offsets = [0, 2560], sizes = [8, 128], strides = [1, 1]} : vector<8x4096xf32> to vector<8x128xf32>
    %slice3A_106 = vector.extract_strided_slice %get3A_7 {offsets = [0, 2688], sizes = [8, 128], strides = [1, 1]} : vector<8x4096xf32> to vector<8x128xf32>
    %slice3A_107 = vector.extract_strided_slice %get3A_7 {offsets = [0, 2816], sizes = [8, 128], strides = [1, 1]} : vector<8x4096xf32> to vector<8x128xf32>
    %slice3A_108 = vector.extract_strided_slice %get3A_7 {offsets = [0, 2944], sizes = [8, 128], strides = [1, 1]} : vector<8x4096xf32> to vector<8x128xf32>
    %slice3A_109 = vector.extract_strided_slice %get3A_7 {offsets = [0, 3072], sizes = [8, 128], strides = [1, 1]} : vector<8x4096xf32> to vector<8x128xf32>
    %slice3A_110 = vector.extract_strided_slice %get3A_7 {offsets = [0, 3200], sizes = [8, 128], strides = [1, 1]} : vector<8x4096xf32> to vector<8x128xf32>
    %slice3A_111 = vector.extract_strided_slice %get3A_7 {offsets = [0, 3328], sizes = [8, 128], strides = [1, 1]} : vector<8x4096xf32> to vector<8x128xf32>
    %slice3A_112 = vector.extract_strided_slice %get3A_7 {offsets = [0, 3456], sizes = [8, 128], strides = [1, 1]} : vector<8x4096xf32> to vector<8x128xf32>
    %slice3A_113 = vector.extract_strided_slice %get3A_7 {offsets = [0, 3584], sizes = [8, 128], strides = [1, 1]} : vector<8x4096xf32> to vector<8x128xf32>
    %slice3A_114 = vector.extract_strided_slice %get3A_7 {offsets = [0, 3712], sizes = [8, 128], strides = [1, 1]} : vector<8x4096xf32> to vector<8x128xf32>
    %slice3A_115 = vector.extract_strided_slice %get3A_7 {offsets = [0, 3840], sizes = [8, 128], strides = [1, 1]} : vector<8x4096xf32> to vector<8x128xf32>
    %slice3A_116 = vector.extract_strided_slice %get3A_7 {offsets = [0, 3968], sizes = [8, 128], strides = [1, 1]} : vector<8x4096xf32> to vector<8x128xf32>
    %broadcast_in_dim3A_117 = vector.shape_cast %get3A_10 : vector<8x1xf32> to vector<8x1xf32>
    %broadcast_in_dim3A_118 = vector.broadcast %broadcast_in_dim3A_117 : vector<8x1xf32> to vector<8x128xf32>
    %slice3A_119 = vector.extract_strided_slice %get3A_1 {offsets = [0, 0], sizes = [8, 1], strides = [1, 1]} : vector<8x4096xf32> to vector<8x1xf32>
    %broadcast_in_dim3A_120 = vector.shape_cast %slice3A_119 : vector<8x1xf32> to vector<8x1xf32>
    %broadcast_in_dim3A_121 = vector.broadcast %broadcast_in_dim3A_120 : vector<8x1xf32> to vector<8x128xf32>
    %slice3A_122 = vector.extract_strided_slice %get3A_4 {offsets = [0, 0], sizes = [8, 1], strides = [1, 1]} : vector<8x4096xf32> to vector<8x1xf32>
    %broadcast_in_dim3A_123 = vector.shape_cast %slice3A_122 : vector<8x1xf32> to vector<8x1xf32>
    %broadcast_in_dim3A_124 = vector.broadcast %broadcast_in_dim3A_123 : vector<8x1xf32> to vector<8x128xf32>
    %slice3A_125 = vector.extract_strided_slice %get3A_7 {offsets = [0, 0], sizes = [8, 1], strides = [1, 1]} : vector<8x4096xf32> to vector<8x1xf32>
    %broadcast_in_dim3A_126 = vector.shape_cast %slice3A_125 : vector<8x1xf32> to vector<8x1xf32>
    %broadcast_in_dim3A_127 = vector.broadcast %broadcast_in_dim3A_126 : vector<8x1xf32> to vector<8x128xf32>
    %scan3A = arith.constant 1 : i32
    %scan3A_128 = arith.constant 2047 : i32
    %scan3A_129 = arith.addi %scan3A, %scan3A_128 : i32
    %scan3A_130 = arith.constant 1 : i32
    %scan3A_131:4 = scf.for %scan3A_133 = %scan3A to %scan3A_129 step %scan3A_130 iter_args(%scan3A_134 = %broadcast_in_dim3A_121, %scan3A_135 = %broadcast_in_dim3A_124, %scan3A_136 = %broadcast_in_dim3A_127, %scan3A_137 = %select_n3A) -> (vector<8x128xf32>, vector<8x128xf32>, vector<8x128xf32>, vector<8x128xi32>)  : i32 {
      %sub3A = arith.subf %slice3A, %scan3A_134 : vector<8x128xf32>
      %sub3A_138 = arith.subf %slice3A_53, %scan3A_135 : vector<8x128xf32>
      %sub3A_139 = arith.subf %slice3A_85, %scan3A_136 : vector<8x128xf32>
      %mul3A_140 = arith.mulf %sub3A, %sub3A : vector<8x128xf32>
      %mul3A_141 = arith.mulf %sub3A_139, %sub3A_139 : vector<8x128xf32>
      %add3A = arith.addf %mul3A_140, %mul3A_141 : vector<8x128xf32>
      %mul3A_142 = arith.mulf %sub3A_138, %sub3A_138 : vector<8x128xf32>
      %add3A_143 = arith.addf %add3A, %mul3A_142 : vector<8x128xf32>
      %get3A_144 = arith.constant 0 : index
      %get3A_145 = arith.constant 0 : index
      %get3A_146 = vector.load %arg5[%get3A_144, %get3A_145] : memref<8x4096xf32, #tpu.memory_space<vmem>>, vector<8x128xf32>
      %neg3A = arith.constant 0.000000e+00 : f32
      %neg3A_147 = vector.broadcast %neg3A : f32 to vector<8x128xf32>
      %neg3A_148 = arith.subf %neg3A_147, %add3A_143 : vector<8x128xf32>
      %div3A = arith.divf %neg3A_148, %broadcast_in_dim3A_118 : vector<8x128xf32>
      %exp3A = math.exp %div3A : vector<8x128xf32>
      %add3A_149 = arith.addf %get3A_146, %exp3A : vector<8x128xf32>
      %swap3A_150 = arith.constant 0 : index
      %swap3A_151 = arith.constant 0 : index
      %swap3A_152 = vector.load %arg5[%swap3A_150, %swap3A_151] : memref<8x4096xf32, #tpu.memory_space<vmem>>, vector<8x128xf32>
      tpu.vector_store %arg5[%swap3A_150, %swap3A_151], %add3A_149 {strides = array<i32>} : memref<8x4096xf32, #tpu.memory_space<vmem>>, vector<8x128xf32>,
      %sub3A_153 = arith.subf %slice3A_22, %scan3A_134 : vector<8x128xf32>
      %sub3A_154 = arith.subf %slice3A_54, %scan3A_135 : vector<8x128xf32>
      %sub3A_155 = arith.subf %slice3A_86, %scan3A_136 : vector<8x128xf32>
      %mul3A_156 = arith.mulf %sub3A_153, %sub3A_153 : vector<8x128xf32>
      %mul3A_157 = arith.mulf %sub3A_155, %sub3A_155 : vector<8x128xf32>
      %add3A_158 = arith.addf %mul3A_156, %mul3A_157 : vector<8x128xf32>
      %mul3A_159 = arith.mulf %sub3A_154, %sub3A_154 : vector<8x128xf32>
      %add3A_160 = arith.addf %add3A_158, %mul3A_159 : vector<8x128xf32>
      %get3A_161 = arith.constant 0 : index
      %get3A_162 = arith.constant 128 : index
      %get3A_163 = vector.load %arg5[%get3A_161, %get3A_162] : memref<8x4096xf32, #tpu.memory_space<vmem>>, vector<8x128xf32>
      %neg3A_164 = arith.constant 0.000000e+00 : f32
      %neg3A_165 = vector.broadcast %neg3A_164 : f32 to vector<8x128xf32>
      %neg3A_166 = arith.subf %neg3A_165, %add3A_160 : vector<8x128xf32>
      %div3A_167 = arith.divf %neg3A_166, %broadcast_in_dim3A_118 : vector<8x128xf32>
      %exp3A_168 = math.exp %div3A_167 : vector<8x128xf32>
      %add3A_169 = arith.addf %get3A_163, %exp3A_168 : vector<8x128xf32>
      %swap3A_170 = arith.constant 0 : index
      %swap3A_171 = arith.constant 128 : index
      %swap3A_172 = vector.load %arg5[%swap3A_170, %swap3A_171] : memref<8x4096xf32, #tpu.memory_space<vmem>>, vector<8x128xf32>
      tpu.vector_store %arg5[%swap3A_170, %swap3A_171], %add3A_169 {strides = array<i32>} : memref<8x4096xf32, #tpu.memory_space<vmem>>, vector<8x128xf32>,
      %sub3A_173 = arith.subf %slice3A_23, %scan3A_134 : vector<8x128xf32>
      %sub3A_174 = arith.subf %slice3A_55, %scan3A_135 : vector<8x128xf32>
      %sub3A_175 = arith.subf %slice3A_87, %scan3A_136 : vector<8x128xf32>
      %mul3A_176 = arith.mulf %sub3A_173, %sub3A_173 : vector<8x128xf32>
      %mul3A_177 = arith.mulf %sub3A_175, %sub3A_175 : vector<8x128xf32>
      %add3A_178 = arith.addf %mul3A_176, %mul3A_177 : vector<8x128xf32>
      %mul3A_179 = arith.mulf %sub3A_174, %sub3A_174 : vector<8x128xf32>
      %add3A_180 = arith.addf %add3A_178, %mul3A_179 : vector<8x128xf32>
      %get3A_181 = arith.constant 0 : index
      %get3A_182 = arith.constant 256 : index
      %get3A_183 = vector.load %arg5[%get3A_181, %get3A_182] : memref<8x4096xf32, #tpu.memory_space<vmem>>, vector<8x128xf32>
      %neg3A_184 = arith.constant 0.000000e+00 : f32
      %neg3A_185 = vector.broadcast %neg3A_184 : f32 to vector<8x128xf32>
      %neg3A_186 = arith.subf %neg3A_185, %add3A_180 : vector<8x128xf32>
      %div3A_187 = arith.divf %neg3A_186, %broadcast_in_dim3A_118 : vector<8x128xf32>
      %exp3A_188 = math.exp %div3A_187 : vector<8x128xf32>
      %add3A_189 = arith.addf %get3A_183, %exp3A_188 : vector<8x128xf32>
      %swap3A_190 = arith.constant 0 : index
      %swap3A_191 = arith.constant 256 : index
      %swap3A_192 = vector.load %arg5[%swap3A_190, %swap3A_191] : memref<8x4096xf32, #tpu.memory_space<vmem>>, vector<8x128xf32>
      tpu.vector_store %arg5[%swap3A_190, %swap3A_191], %add3A_189 {strides = array<i32>} : memref<8x4096xf32, #tpu.memory_space<vmem>>, vector<8x128xf32>,
      %sub3A_193 = arith.subf %slice3A_24, %scan3A_134 : vector<8x128xf32>
      %sub3A_194 = arith.subf %slice3A_56, %scan3A_135 : vector<8x128xf32>
      %sub3A_195 = arith.subf %slice3A_88, %scan3A_136 : vector<8x128xf32>
      %mul3A_196 = arith.mulf %sub3A_193, %sub3A_193 : vector<8x128xf32>
      %mul3A_197 = arith.mulf %sub3A_195, %sub3A_195 : vector<8x128xf32>
      %add3A_198 = arith.addf %mul3A_196, %mul3A_197 : vector<8x128xf32>
      %mul3A_199 = arith.mulf %sub3A_194, %sub3A_194 : vector<8x128xf32>
      %add3A_200 = arith.addf %add3A_198, %mul3A_199 : vector<8x128xf32>
      %get3A_201 = arith.constant 0 : index
      %get3A_202 = arith.constant 384 : index
      %get3A_203 = vector.load %arg5[%get3A_201, %get3A_202] : memref<8x4096xf32, #tpu.memory_space<vmem>>, vector<8x128xf32>
      %neg3A_204 = arith.constant 0.000000e+00 : f32
      %neg3A_205 = vector.broadcast %neg3A_204 : f32 to vector<8x128xf32>
      %neg3A_206 = arith.subf %neg3A_205, %add3A_200 : vector<8x128xf32>
      %div3A_207 = arith.divf %neg3A_206, %broadcast_in_dim3A_118 : vector<8x128xf32>
      %exp3A_208 = math.exp %div3A_207 : vector<8x128xf32>
      %add3A_209 = arith.addf %get3A_203, %exp3A_208 : vector<8x128xf32>
      %swap3A_210 = arith.constant 0 : index
      %swap3A_211 = arith.constant 384 : index
      %swap3A_212 = vector.load %arg5[%swap3A_210, %swap3A_211] : memref<8x4096xf32, #tpu.memory_space<vmem>>, vector<8x128xf32>
      tpu.vector_store %arg5[%swap3A_210, %swap3A_211], %add3A_209 {strides = array<i32>} : memref<8x4096xf32, #tpu.memory_space<vmem>>, vector<8x128xf32>,
      %sub3A_213 = arith.subf %slice3A_25, %scan3A_134 : vector<8x128xf32>
      %sub3A_214 = arith.subf %slice3A_57, %scan3A_135 : vector<8x128xf32>
      %sub3A_215 = arith.subf %slice3A_89, %scan3A_136 : vector<8x128xf32>
      %mul3A_216 = arith.mulf %sub3A_213, %sub3A_213 : vector<8x128xf32>
      %mul3A_217 = arith.mulf %sub3A_215, %sub3A_215 : vector<8x128xf32>
      %add3A_218 = arith.addf %mul3A_216, %mul3A_217 : vector<8x128xf32>
      %mul3A_219 = arith.mulf %sub3A_214, %sub3A_214 : vector<8x128xf32>
      %add3A_220 = arith.addf %add3A_218, %mul3A_219 : vector<8x128xf32>
      %get3A_221 = arith.constant 0 : index
      %get3A_222 = arith.constant 512 : index
      %get3A_223 = vector.load %arg5[%get3A_221, %get3A_222] : memref<8x4096xf32, #tpu.memory_space<vmem>>, vector<8x128xf32>
      %neg3A_224 = arith.constant 0.000000e+00 : f32
      %neg3A_225 = vector.broadcast %neg3A_224 : f32 to vector<8x128xf32>
      %neg3A_226 = arith.subf %neg3A_225, %add3A_220 : vector<8x128xf32>
      %div3A_227 = arith.divf %neg3A_226, %broadcast_in_dim3A_118 : vector<8x128xf32>
      %exp3A_228 = math.exp %div3A_227 : vector<8x128xf32>
      %add3A_229 = arith.addf %get3A_223, %exp3A_228 : vector<8x128xf32>
      %swap3A_230 = arith.constant 0 : index
      %swap3A_231 = arith.constant 512 : index
      %swap3A_232 = vector.load %arg5[%swap3A_230, %swap3A_231] : memref<8x4096xf32, #tpu.memory_space<vmem>>, vector<8x128xf32>
      tpu.vector_store %arg5[%swap3A_230, %swap3A_231], %add3A_229 {strides = array<i32>} : memref<8x4096xf32, #tpu.memory_space<vmem>>, vector<8x128xf32>,
      %sub3A_233 = arith.subf %slice3A_26, %scan3A_134 : vector<8x128xf32>
      %sub3A_234 = arith.subf %slice3A_58, %scan3A_135 : vector<8x128xf32>
      %sub3A_235 = arith.subf %slice3A_90, %scan3A_136 : vector<8x128xf32>
      %mul3A_236 = arith.mulf %sub3A_233, %sub3A_233 : vector<8x128xf32>
      %mul3A_237 = arith.mulf %sub3A_235, %sub3A_235 : vector<8x128xf32>
      %add3A_238 = arith.addf %mul3A_236, %mul3A_237 : vector<8x128xf32>
      %mul3A_239 = arith.mulf %sub3A_234, %sub3A_234 : vector<8x128xf32>
      %add3A_240 = arith.addf %add3A_238, %mul3A_239 : vector<8x128xf32>
      %get3A_241 = arith.constant 0 : index
      %get3A_242 = arith.constant 640 : index
      %get3A_243 = vector.load %arg5[%get3A_241, %get3A_242] : memref<8x4096xf32, #tpu.memory_space<vmem>>, vector<8x128xf32>
      %neg3A_244 = arith.constant 0.000000e+00 : f32
      %neg3A_245 = vector.broadcast %neg3A_244 : f32 to vector<8x128xf32>
      %neg3A_246 = arith.subf %neg3A_245, %add3A_240 : vector<8x128xf32>
      %div3A_247 = arith.divf %neg3A_246, %broadcast_in_dim3A_118 : vector<8x128xf32>
      %exp3A_248 = math.exp %div3A_247 : vector<8x128xf32>
      %add3A_249 = arith.addf %get3A_243, %exp3A_248 : vector<8x128xf32>
      %swap3A_250 = arith.constant 0 : index
      %swap3A_251 = arith.constant 640 : index
      %swap3A_252 = vector.load %arg5[%swap3A_250, %swap3A_251] : memref<8x4096xf32, #tpu.memory_space<vmem>>, vector<8x128xf32>
      tpu.vector_store %arg5[%swap3A_250, %swap3A_251], %add3A_249 {strides = array<i32>} : memref<8x4096xf32, #tpu.memory_space<vmem>>, vector<8x128xf32>,
      %sub3A_253 = arith.subf %slice3A_27, %scan3A_134 : vector<8x128xf32>
      %sub3A_254 = arith.subf %slice3A_59, %scan3A_135 : vector<8x128xf32>
      %sub3A_255 = arith.subf %slice3A_91, %scan3A_136 : vector<8x128xf32>
      %mul3A_256 = arith.mulf %sub3A_253, %sub3A_253 : vector<8x128xf32>
      %mul3A_257 = arith.mulf %sub3A_255, %sub3A_255 : vector<8x128xf32>
      %add3A_258 = arith.addf %mul3A_256, %mul3A_257 : vector<8x128xf32>
      %mul3A_259 = arith.mulf %sub3A_254, %sub3A_254 : vector<8x128xf32>
      %add3A_260 = arith.addf %add3A_258, %mul3A_259 : vector<8x128xf32>
      %get3A_261 = arith.constant 0 : index
      %get3A_262 = arith.constant 768 : index
      %get3A_263 = vector.load %arg5[%get3A_261, %get3A_262] : memref<8x4096xf32, #tpu.memory_space<vmem>>, vector<8x128xf32>
      %neg3A_264 = arith.constant 0.000000e+00 : f32
      %neg3A_265 = vector.broadcast %neg3A_264 : f32 to vector<8x128xf32>
      %neg3A_266 = arith.subf %neg3A_265, %add3A_260 : vector<8x128xf32>
      %div3A_267 = arith.divf %neg3A_266, %broadcast_in_dim3A_118 : vector<8x128xf32>
      %exp3A_268 = math.exp %div3A_267 : vector<8x128xf32>
      %add3A_269 = arith.addf %get3A_263, %exp3A_268 : vector<8x128xf32>
      %swap3A_270 = arith.constant 0 : index
      %swap3A_271 = arith.constant 768 : index
      %swap3A_272 = vector.load %arg5[%swap3A_270, %swap3A_271] : memref<8x4096xf32, #tpu.memory_space<vmem>>, vector<8x128xf32>
      tpu.vector_store %arg5[%swap3A_270, %swap3A_271], %add3A_269 {strides = array<i32>} : memref<8x4096xf32, #tpu.memory_space<vmem>>, vector<8x128xf32>,
      %sub3A_273 = arith.subf %slice3A_28, %scan3A_134 : vector<8x128xf32>
      %sub3A_274 = arith.subf %slice3A_60, %scan3A_135 : vector<8x128xf32>
      %sub3A_275 = arith.subf %slice3A_92, %scan3A_136 : vector<8x128xf32>
      %mul3A_276 = arith.mulf %sub3A_273, %sub3A_273 : vector<8x128xf32>
      %mul3A_277 = arith.mulf %sub3A_275, %sub3A_275 : vector<8x128xf32>
      %add3A_278 = arith.addf %mul3A_276, %mul3A_277 : vector<8x128xf32>
      %mul3A_279 = arith.mulf %sub3A_274, %sub3A_274 : vector<8x128xf32>
      %add3A_280 = arith.addf %add3A_278, %mul3A_279 : vector<8x128xf32>
      %get3A_281 = arith.constant 0 : index
      %get3A_282 = arith.constant 896 : index
      %get3A_283 = vector.load %arg5[%get3A_281, %get3A_282] : memref<8x4096xf32, #tpu.memory_space<vmem>>, vector<8x128xf32>
      %neg3A_284 = arith.constant 0.000000e+00 : f32
      %neg3A_285 = vector.broadcast %neg3A_284 : f32 to vector<8x128xf32>
      %neg3A_286 = arith.subf %neg3A_285, %add3A_280 : vector<8x128xf32>
      %div3A_287 = arith.divf %neg3A_286, %broadcast_in_dim3A_118 : vector<8x128xf32>
      %exp3A_288 = math.exp %div3A_287 : vector<8x128xf32>
      %add3A_289 = arith.addf %get3A_283, %exp3A_288 : vector<8x128xf32>
      %swap3A_290 = arith.constant 0 : index
      %swap3A_291 = arith.constant 896 : index
      %swap3A_292 = vector.load %arg5[%swap3A_290, %swap3A_291] : memref<8x4096xf32, #tpu.memory_space<vmem>>, vector<8x128xf32>
      tpu.vector_store %arg5[%swap3A_290, %swap3A_291], %add3A_289 {strides = array<i32>} : memref<8x4096xf32, #tpu.memory_space<vmem>>, vector<8x128xf32>,
      %sub3A_293 = arith.subf %slice3A_29, %scan3A_134 : vector<8x128xf32>
      %sub3A_294 = arith.subf %slice3A_61, %scan3A_135 : vector<8x128xf32>
      %sub3A_295 = arith.subf %slice3A_93, %scan3A_136 : vector<8x128xf32>
      %mul3A_296 = arith.mulf %sub3A_293, %sub3A_293 : vector<8x128xf32>
      %mul3A_297 = arith.mulf %sub3A_295, %sub3A_295 : vector<8x128xf32>
      %add3A_298 = arith.addf %mul3A_296, %mul3A_297 : vector<8x128xf32>
      %mul3A_299 = arith.mulf %sub3A_294, %sub3A_294 : vector<8x128xf32>
      %add3A_300 = arith.addf %add3A_298, %mul3A_299 : vector<8x128xf32>
      %get3A_301 = arith.constant 0 : index
      %get3A_302 = arith.constant 1024 : index
      %get3A_303 = vector.load %arg5[%get3A_301, %get3A_302] : memref<8x4096xf32, #tpu.memory_space<vmem>>, vector<8x128xf32>
      %neg3A_304 = arith.constant 0.000000e+00 : f32
      %neg3A_305 = vector.broadcast %neg3A_304 : f32 to vector<8x128xf32>
      %neg3A_306 = arith.subf %neg3A_305, %add3A_300 : vector<8x128xf32>
      %div3A_307 = arith.divf %neg3A_306, %broadcast_in_dim3A_118 : vector<8x128xf32>
      %exp3A_308 = math.exp %div3A_307 : vector<8x128xf32>
      %add3A_309 = arith.addf %get3A_303, %exp3A_308 : vector<8x128xf32>
      %swap3A_310 = arith.constant 0 : index
      %swap3A_311 = arith.constant 1024 : index
      %swap3A_312 = vector.load %arg5[%swap3A_310, %swap3A_311] : memref<8x4096xf32, #tpu.memory_space<vmem>>, vector<8x128xf32>
      tpu.vector_store %arg5[%swap3A_310, %swap3A_311], %add3A_309 {strides = array<i32>} : memref<8x4096xf32, #tpu.memory_space<vmem>>, vector<8x128xf32>,
      %sub3A_313 = arith.subf %slice3A_30, %scan3A_134 : vector<8x128xf32>
      %sub3A_314 = arith.subf %slice3A_62, %scan3A_135 : vector<8x128xf32>
      %sub3A_315 = arith.subf %slice3A_94, %scan3A_136 : vector<8x128xf32>
      %mul3A_316 = arith.mulf %sub3A_313, %sub3A_313 : vector<8x128xf32>
      %mul3A_317 = arith.mulf %sub3A_315, %sub3A_315 : vector<8x128xf32>
      %add3A_318 = arith.addf %mul3A_316, %mul3A_317 : vector<8x128xf32>
      %mul3A_319 = arith.mulf %sub3A_314, %sub3A_314 : vector<8x128xf32>
      %add3A_320 = arith.addf %add3A_318, %mul3A_319 : vector<8x128xf32>
      %get3A_321 = arith.constant 0 : index
      %get3A_322 = arith.constant 1152 : index
      %get3A_323 = vector.load %arg5[%get3A_321, %get3A_322] : memref<8x4096xf32, #tpu.memory_space<vmem>>, vector<8x128xf32>
      %neg3A_324 = arith.constant 0.000000e+00 : f32
      %neg3A_325 = vector.broadcast %neg3A_324 : f32 to vector<8x128xf32>
      %neg3A_326 = arith.subf %neg3A_325, %add3A_320 : vector<8x128xf32>
      %div3A_327 = arith.divf %neg3A_326, %broadcast_in_dim3A_118 : vector<8x128xf32>
      %exp3A_328 = math.exp %div3A_327 : vector<8x128xf32>
      %add3A_329 = arith.addf %get3A_323, %exp3A_328 : vector<8x128xf32>
      %swap3A_330 = arith.constant 0 : index
      %swap3A_331 = arith.constant 1152 : index
      %swap3A_332 = vector.load %arg5[%swap3A_330, %swap3A_331] : memref<8x4096xf32, #tpu.memory_space<vmem>>, vector<8x128xf32>
      tpu.vector_store %arg5[%swap3A_330, %swap3A_331], %add3A_329 {strides = array<i32>} : memref<8x4096xf32, #tpu.memory_space<vmem>>, vector<8x128xf32>,
      %sub3A_333 = arith.subf %slice3A_31, %scan3A_134 : vector<8x128xf32>
      %sub3A_334 = arith.subf %slice3A_63, %scan3A_135 : vector<8x128xf32>
      %sub3A_335 = arith.subf %slice3A_95, %scan3A_136 : vector<8x128xf32>
      %mul3A_336 = arith.mulf %sub3A_333, %sub3A_333 : vector<8x128xf32>
      %mul3A_337 = arith.mulf %sub3A_335, %sub3A_335 : vector<8x128xf32>
      %add3A_338 = arith.addf %mul3A_336, %mul3A_337 : vector<8x128xf32>
      %mul3A_339 = arith.mulf %sub3A_334, %sub3A_334 : vector<8x128xf32>
      %add3A_340 = arith.addf %add3A_338, %mul3A_339 : vector<8x128xf32>
      %get3A_341 = arith.constant 0 : index
      %get3A_342 = arith.constant 1280 : index
      %get3A_343 = vector.load %arg5[%get3A_341, %get3A_342] : memref<8x4096xf32, #tpu.memory_space<vmem>>, vector<8x128xf32>
      %neg3A_344 = arith.constant 0.000000e+00 : f32
      %neg3A_345 = vector.broadcast %neg3A_344 : f32 to vector<8x128xf32>
      %neg3A_346 = arith.subf %neg3A_345, %add3A_340 : vector<8x128xf32>
      %div3A_347 = arith.divf %neg3A_346, %broadcast_in_dim3A_118 : vector<8x128xf32>
      %exp3A_348 = math.exp %div3A_347 : vector<8x128xf32>
      %add3A_349 = arith.addf %get3A_343, %exp3A_348 : vector<8x128xf32>
      %swap3A_350 = arith.constant 0 : index
      %swap3A_351 = arith.constant 1280 : index
      %swap3A_352 = vector.load %arg5[%swap3A_350, %swap3A_351] : memref<8x4096xf32, #tpu.memory_space<vmem>>, vector<8x128xf32>
      tpu.vector_store %arg5[%swap3A_350, %swap3A_351], %add3A_349 {strides = array<i32>} : memref<8x4096xf32, #tpu.memory_space<vmem>>, vector<8x128xf32>,
      %sub3A_353 = arith.subf %slice3A_32, %scan3A_134 : vector<8x128xf32>
      %sub3A_354 = arith.subf %slice3A_64, %scan3A_135 : vector<8x128xf32>
      %sub3A_355 = arith.subf %slice3A_96, %scan3A_136 : vector<8x128xf32>
      %mul3A_356 = arith.mulf %sub3A_353, %sub3A_353 : vector<8x128xf32>
      %mul3A_357 = arith.mulf %sub3A_355, %sub3A_355 : vector<8x128xf32>
      %add3A_358 = arith.addf %mul3A_356, %mul3A_357 : vector<8x128xf32>
      %mul3A_359 = arith.mulf %sub3A_354, %sub3A_354 : vector<8x128xf32>
      %add3A_360 = arith.addf %add3A_358, %mul3A_359 : vector<8x128xf32>
      %get3A_361 = arith.constant 0 : index
      %get3A_362 = arith.constant 1408 : index
      %get3A_363 = vector.load %arg5[%get3A_361, %get3A_362] : memref<8x4096xf32, #tpu.memory_space<vmem>>, vector<8x128xf32>
      %neg3A_364 = arith.constant 0.000000e+00 : f32
      %neg3A_365 = vector.broadcast %neg3A_364 : f32 to vector<8x128xf32>
      %neg3A_366 = arith.subf %neg3A_365, %add3A_360 : vector<8x128xf32>
      %div3A_367 = arith.divf %neg3A_366, %broadcast_in_dim3A_118 : vector<8x128xf32>
      %exp3A_368 = math.exp %div3A_367 : vector<8x128xf32>
      %add3A_369 = arith.addf %get3A_363, %exp3A_368 : vector<8x128xf32>
      %swap3A_370 = arith.constant 0 : index
      %swap3A_371 = arith.constant 1408 : index
      %swap3A_372 = vector.load %arg5[%swap3A_370, %swap3A_371] : memref<8x4096xf32, #tpu.memory_space<vmem>>, vector<8x128xf32>
      tpu.vector_store %arg5[%swap3A_370, %swap3A_371], %add3A_369 {strides = array<i32>} : memref<8x4096xf32, #tpu.memory_space<vmem>>, vector<8x128xf32>,
      %sub3A_373 = arith.subf %slice3A_33, %scan3A_134 : vector<8x128xf32>
      %sub3A_374 = arith.subf %slice3A_65, %scan3A_135 : vector<8x128xf32>
      %sub3A_375 = arith.subf %slice3A_97, %scan3A_136 : vector<8x128xf32>
      %mul3A_376 = arith.mulf %sub3A_373, %sub3A_373 : vector<8x128xf32>
      %mul3A_377 = arith.mulf %sub3A_375, %sub3A_375 : vector<8x128xf32>
      %add3A_378 = arith.addf %mul3A_376, %mul3A_377 : vector<8x128xf32>
      %mul3A_379 = arith.mulf %sub3A_374, %sub3A_374 : vector<8x128xf32>
      %add3A_380 = arith.addf %add3A_378, %mul3A_379 : vector<8x128xf32>
      %get3A_381 = arith.constant 0 : index
      %get3A_382 = arith.constant 1536 : index
      %get3A_383 = vector.load %arg5[%get3A_381, %get3A_382] : memref<8x4096xf32, #tpu.memory_space<vmem>>, vector<8x128xf32>
      %neg3A_384 = arith.constant 0.000000e+00 : f32
      %neg3A_385 = vector.broadcast %neg3A_384 : f32 to vector<8x128xf32>
      %neg3A_386 = arith.subf %neg3A_385, %add3A_380 : vector<8x128xf32>
      %div3A_387 = arith.divf %neg3A_386, %broadcast_in_dim3A_118 : vector<8x128xf32>
      %exp3A_388 = math.exp %div3A_387 : vector<8x128xf32>
      %add3A_389 = arith.addf %get3A_383, %exp3A_388 : vector<8x128xf32>
      %swap3A_390 = arith.constant 0 : index
      %swap3A_391 = arith.constant 1536 : index
      %swap3A_392 = vector.load %arg5[%swap3A_390, %swap3A_391] : memref<8x4096xf32, #tpu.memory_space<vmem>>, vector<8x128xf32>
      tpu.vector_store %arg5[%swap3A_390, %swap3A_391], %add3A_389 {strides = array<i32>} : memref<8x4096xf32, #tpu.memory_space<vmem>>, vector<8x128xf32>,
      %sub3A_393 = arith.subf %slice3A_34, %scan3A_134 : vector<8x128xf32>
      %sub3A_394 = arith.subf %slice3A_66, %scan3A_135 : vector<8x128xf32>
      %sub3A_395 = arith.subf %slice3A_98, %scan3A_136 : vector<8x128xf32>
      %mul3A_396 = arith.mulf %sub3A_393, %sub3A_393 : vector<8x128xf32>
      %mul3A_397 = arith.mulf %sub3A_395, %sub3A_395 : vector<8x128xf32>
      %add3A_398 = arith.addf %mul3A_396, %mul3A_397 : vector<8x128xf32>
      %mul3A_399 = arith.mulf %sub3A_394, %sub3A_394 : vector<8x128xf32>
      %add3A_400 = arith.addf %add3A_398, %mul3A_399 : vector<8x128xf32>
      %get3A_401 = arith.constant 0 : index
      %get3A_402 = arith.constant 1664 : index
      %get3A_403 = vector.load %arg5[%get3A_401, %get3A_402] : memref<8x4096xf32, #tpu.memory_space<vmem>>, vector<8x128xf32>
      %neg3A_404 = arith.constant 0.000000e+00 : f32
      %neg3A_405 = vector.broadcast %neg3A_404 : f32 to vector<8x128xf32>
      %neg3A_406 = arith.subf %neg3A_405, %add3A_400 : vector<8x128xf32>
      %div3A_407 = arith.divf %neg3A_406, %broadcast_in_dim3A_118 : vector<8x128xf32>
      %exp3A_408 = math.exp %div3A_407 : vector<8x128xf32>
      %add3A_409 = arith.addf %get3A_403, %exp3A_408 : vector<8x128xf32>
      %swap3A_410 = arith.constant 0 : index
      %swap3A_411 = arith.constant 1664 : index
      %swap3A_412 = vector.load %arg5[%swap3A_410, %swap3A_411] : memref<8x4096xf32, #tpu.memory_space<vmem>>, vector<8x128xf32>
      tpu.vector_store %arg5[%swap3A_410, %swap3A_411], %add3A_409 {strides = array<i32>} : memref<8x4096xf32, #tpu.memory_space<vmem>>, vector<8x128xf32>,
      %sub3A_413 = arith.subf %slice3A_35, %scan3A_134 : vector<8x128xf32>
      %sub3A_414 = arith.subf %slice3A_67, %scan3A_135 : vector<8x128xf32>
      %sub3A_415 = arith.subf %slice3A_99, %scan3A_136 : vector<8x128xf32>
      %mul3A_416 = arith.mulf %sub3A_413, %sub3A_413 : vector<8x128xf32>
      %mul3A_417 = arith.mulf %sub3A_415, %sub3A_415 : vector<8x128xf32>
      %add3A_418 = arith.addf %mul3A_416, %mul3A_417 : vector<8x128xf32>
      %mul3A_419 = arith.mulf %sub3A_414, %sub3A_414 : vector<8x128xf32>
      %add3A_420 = arith.addf %add3A_418, %mul3A_419 : vector<8x128xf32>
      %get3A_421 = arith.constant 0 : index
      %get3A_422 = arith.constant 1792 : index
      %get3A_423 = vector.load %arg5[%get3A_421, %get3A_422] : memref<8x4096xf32, #tpu.memory_space<vmem>>, vector<8x128xf32>
      %neg3A_424 = arith.constant 0.000000e+00 : f32
      %neg3A_425 = vector.broadcast %neg3A_424 : f32 to vector<8x128xf32>
      %neg3A_426 = arith.subf %neg3A_425, %add3A_420 : vector<8x128xf32>
      %div3A_427 = arith.divf %neg3A_426, %broadcast_in_dim3A_118 : vector<8x128xf32>
      %exp3A_428 = math.exp %div3A_427 : vector<8x128xf32>
      %add3A_429 = arith.addf %get3A_423, %exp3A_428 : vector<8x128xf32>
      %swap3A_430 = arith.constant 0 : index
      %swap3A_431 = arith.constant 1792 : index
      %swap3A_432 = vector.load %arg5[%swap3A_430, %swap3A_431] : memref<8x4096xf32, #tpu.memory_space<vmem>>, vector<8x128xf32>
      tpu.vector_store %arg5[%swap3A_430, %swap3A_431], %add3A_429 {strides = array<i32>} : memref<8x4096xf32, #tpu.memory_space<vmem>>, vector<8x128xf32>,
      %sub3A_433 = arith.subf %slice3A_36, %scan3A_134 : vector<8x128xf32>
      %sub3A_434 = arith.subf %slice3A_68, %scan3A_135 : vector<8x128xf32>
      %sub3A_435 = arith.subf %slice3A_100, %scan3A_136 : vector<8x128xf32>
      %mul3A_436 = arith.mulf %sub3A_433, %sub3A_433 : vector<8x128xf32>
      %mul3A_437 = arith.mulf %sub3A_435, %sub3A_435 : vector<8x128xf32>
      %add3A_438 = arith.addf %mul3A_436, %mul3A_437 : vector<8x128xf32>
      %mul3A_439 = arith.mulf %sub3A_434, %sub3A_434 : vector<8x128xf32>
      %add3A_440 = arith.addf %add3A_438, %mul3A_439 : vector<8x128xf32>
      %get3A_441 = arith.constant 0 : index
      %get3A_442 = arith.constant 1920 : index
      %get3A_443 = vector.load %arg5[%get3A_441, %get3A_442] : memref<8x4096xf32, #tpu.memory_space<vmem>>, vector<8x128xf32>
      %neg3A_444 = arith.constant 0.000000e+00 : f32
      %neg3A_445 = vector.broadcast %neg3A_444 : f32 to vector<8x128xf32>
      %neg3A_446 = arith.subf %neg3A_445, %add3A_440 : vector<8x128xf32>
      %div3A_447 = arith.divf %neg3A_446, %broadcast_in_dim3A_118 : vector<8x128xf32>
      %exp3A_448 = math.exp %div3A_447 : vector<8x128xf32>
      %add3A_449 = arith.addf %get3A_443, %exp3A_448 : vector<8x128xf32>
      %swap3A_450 = arith.constant 0 : index
      %swap3A_451 = arith.constant 1920 : index
      %swap3A_452 = vector.load %arg5[%swap3A_450, %swap3A_451] : memref<8x4096xf32, #tpu.memory_space<vmem>>, vector<8x128xf32>
      tpu.vector_store %arg5[%swap3A_450, %swap3A_451], %add3A_449 {strides = array<i32>} : memref<8x4096xf32, #tpu.memory_space<vmem>>, vector<8x128xf32>,
      %sub3A_453 = arith.subf %slice3A_37, %scan3A_134 : vector<8x128xf32>
      %sub3A_454 = arith.subf %slice3A_69, %scan3A_135 : vector<8x128xf32>
      %sub3A_455 = arith.subf %slice3A_101, %scan3A_136 : vector<8x128xf32>
      %mul3A_456 = arith.mulf %sub3A_453, %sub3A_453 : vector<8x128xf32>
      %mul3A_457 = arith.mulf %sub3A_455, %sub3A_455 : vector<8x128xf32>
      %add3A_458 = arith.addf %mul3A_456, %mul3A_457 : vector<8x128xf32>
      %mul3A_459 = arith.mulf %sub3A_454, %sub3A_454 : vector<8x128xf32>
      %add3A_460 = arith.addf %add3A_458, %mul3A_459 : vector<8x128xf32>
      %get3A_461 = arith.constant 0 : index
      %get3A_462 = arith.constant 2048 : index
      %get3A_463 = vector.load %arg5[%get3A_461, %get3A_462] : memref<8x4096xf32, #tpu.memory_space<vmem>>, vector<8x128xf32>
      %neg3A_464 = arith.constant 0.000000e+00 : f32
      %neg3A_465 = vector.broadcast %neg3A_464 : f32 to vector<8x128xf32>
      %neg3A_466 = arith.subf %neg3A_465, %add3A_460 : vector<8x128xf32>
      %div3A_467 = arith.divf %neg3A_466, %broadcast_in_dim3A_118 : vector<8x128xf32>
      %exp3A_468 = math.exp %div3A_467 : vector<8x128xf32>
      %add3A_469 = arith.addf %get3A_463, %exp3A_468 : vector<8x128xf32>
      %swap3A_470 = arith.constant 0 : index
      %swap3A_471 = arith.constant 2048 : index
      %swap3A_472 = vector.load %arg5[%swap3A_470, %swap3A_471] : memref<8x4096xf32, #tpu.memory_space<vmem>>, vector<8x128xf32>
      tpu.vector_store %arg5[%swap3A_470, %swap3A_471], %add3A_469 {strides = array<i32>} : memref<8x4096xf32, #tpu.memory_space<vmem>>, vector<8x128xf32>,
      %sub3A_473 = arith.subf %slice3A_38, %scan3A_134 : vector<8x128xf32>
      %sub3A_474 = arith.subf %slice3A_70, %scan3A_135 : vector<8x128xf32>
      %sub3A_475 = arith.subf %slice3A_102, %scan3A_136 : vector<8x128xf32>
      %mul3A_476 = arith.mulf %sub3A_473, %sub3A_473 : vector<8x128xf32>
      %mul3A_477 = arith.mulf %sub3A_475, %sub3A_475 : vector<8x128xf32>
      %add3A_478 = arith.addf %mul3A_476, %mul3A_477 : vector<8x128xf32>
      %mul3A_479 = arith.mulf %sub3A_474, %sub3A_474 : vector<8x128xf32>
      %add3A_480 = arith.addf %add3A_478, %mul3A_479 : vector<8x128xf32>
      %get3A_481 = arith.constant 0 : index
      %get3A_482 = arith.constant 2176 : index
      %get3A_483 = vector.load %arg5[%get3A_481, %get3A_482] : memref<8x4096xf32, #tpu.memory_space<vmem>>, vector<8x128xf32>
      %neg3A_484 = arith.constant 0.000000e+00 : f32
      %neg3A_485 = vector.broadcast %neg3A_484 : f32 to vector<8x128xf32>
      %neg3A_486 = arith.subf %neg3A_485, %add3A_480 : vector<8x128xf32>
      %div3A_487 = arith.divf %neg3A_486, %broadcast_in_dim3A_118 : vector<8x128xf32>
      %exp3A_488 = math.exp %div3A_487 : vector<8x128xf32>
      %add3A_489 = arith.addf %get3A_483, %exp3A_488 : vector<8x128xf32>
      %swap3A_490 = arith.constant 0 : index
      %swap3A_491 = arith.constant 2176 : index
      %swap3A_492 = vector.load %arg5[%swap3A_490, %swap3A_491] : memref<8x4096xf32, #tpu.memory_space<vmem>>, vector<8x128xf32>
      tpu.vector_store %arg5[%swap3A_490, %swap3A_491], %add3A_489 {strides = array<i32>} : memref<8x4096xf32, #tpu.memory_space<vmem>>, vector<8x128xf32>,
      %sub3A_493 = arith.subf %slice3A_39, %scan3A_134 : vector<8x128xf32>
      %sub3A_494 = arith.subf %slice3A_71, %scan3A_135 : vector<8x128xf32>
      %sub3A_495 = arith.subf %slice3A_103, %scan3A_136 : vector<8x128xf32>
      %mul3A_496 = arith.mulf %sub3A_493, %sub3A_493 : vector<8x128xf32>
      %mul3A_497 = arith.mulf %sub3A_495, %sub3A_495 : vector<8x128xf32>
      %add3A_498 = arith.addf %mul3A_496, %mul3A_497 : vector<8x128xf32>
      %mul3A_499 = arith.mulf %sub3A_494, %sub3A_494 : vector<8x128xf32>
      %add3A_500 = arith.addf %add3A_498, %mul3A_499 : vector<8x128xf32>
      %get3A_501 = arith.constant 0 : index
      %get3A_502 = arith.constant 2304 : index
      %get3A_503 = vector.load %arg5[%get3A_501, %get3A_502] : memref<8x4096xf32, #tpu.memory_space<vmem>>, vector<8x128xf32>
      %neg3A_504 = arith.constant 0.000000e+00 : f32
      %neg3A_505 = vector.broadcast %neg3A_504 : f32 to vector<8x128xf32>
      %neg3A_506 = arith.subf %neg3A_505, %add3A_500 : vector<8x128xf32>
      %div3A_507 = arith.divf %neg3A_506, %broadcast_in_dim3A_118 : vector<8x128xf32>
      %exp3A_508 = math.exp %div3A_507 : vector<8x128xf32>
      %add3A_509 = arith.addf %get3A_503, %exp3A_508 : vector<8x128xf32>
      %swap3A_510 = arith.constant 0 : index
      %swap3A_511 = arith.constant 2304 : index
      %swap3A_512 = vector.load %arg5[%swap3A_510, %swap3A_511] : memref<8x4096xf32, #tpu.memory_space<vmem>>, vector<8x128xf32>
      tpu.vector_store %arg5[%swap3A_510, %swap3A_511], %add3A_509 {strides = array<i32>} : memref<8x4096xf32, #tpu.memory_space<vmem>>, vector<8x128xf32>,
      %sub3A_513 = arith.subf %slice3A_40, %scan3A_134 : vector<8x128xf32>
      %sub3A_514 = arith.subf %slice3A_72, %scan3A_135 : vector<8x128xf32>
      %sub3A_515 = arith.subf %slice3A_104, %scan3A_136 : vector<8x128xf32>
      %mul3A_516 = arith.mulf %sub3A_513, %sub3A_513 : vector<8x128xf32>
      %mul3A_517 = arith.mulf %sub3A_515, %sub3A_515 : vector<8x128xf32>
      %add3A_518 = arith.addf %mul3A_516, %mul3A_517 : vector<8x128xf32>
      %mul3A_519 = arith.mulf %sub3A_514, %sub3A_514 : vector<8x128xf32>
      %add3A_520 = arith.addf %add3A_518, %mul3A_519 : vector<8x128xf32>
      %get3A_521 = arith.constant 0 : index
      %get3A_522 = arith.constant 2432 : index
      %get3A_523 = vector.load %arg5[%get3A_521, %get3A_522] : memref<8x4096xf32, #tpu.memory_space<vmem>>, vector<8x128xf32>
      %neg3A_524 = arith.constant 0.000000e+00 : f32
      %neg3A_525 = vector.broadcast %neg3A_524 : f32 to vector<8x128xf32>
      %neg3A_526 = arith.subf %neg3A_525, %add3A_520 : vector<8x128xf32>
      %div3A_527 = arith.divf %neg3A_526, %broadcast_in_dim3A_118 : vector<8x128xf32>
      %exp3A_528 = math.exp %div3A_527 : vector<8x128xf32>
      %add3A_529 = arith.addf %get3A_523, %exp3A_528 : vector<8x128xf32>
      %swap3A_530 = arith.constant 0 : index
      %swap3A_531 = arith.constant 2432 : index
      %swap3A_532 = vector.load %arg5[%swap3A_530, %swap3A_531] : memref<8x4096xf32, #tpu.memory_space<vmem>>, vector<8x128xf32>
      tpu.vector_store %arg5[%swap3A_530, %swap3A_531], %add3A_529 {strides = array<i32>} : memref<8x4096xf32, #tpu.memory_space<vmem>>, vector<8x128xf32>,
      %sub3A_533 = arith.subf %slice3A_41, %scan3A_134 : vector<8x128xf32>
      %sub3A_534 = arith.subf %slice3A_73, %scan3A_135 : vector<8x128xf32>
      %sub3A_535 = arith.subf %slice3A_105, %scan3A_136 : vector<8x128xf32>
      %mul3A_536 = arith.mulf %sub3A_533, %sub3A_533 : vector<8x128xf32>
      %mul3A_537 = arith.mulf %sub3A_535, %sub3A_535 : vector<8x128xf32>
      %add3A_538 = arith.addf %mul3A_536, %mul3A_537 : vector<8x128xf32>
      %mul3A_539 = arith.mulf %sub3A_534, %sub3A_534 : vector<8x128xf32>
      %add3A_540 = arith.addf %add3A_538, %mul3A_539 : vector<8x128xf32>
      %get3A_541 = arith.constant 0 : index
      %get3A_542 = arith.constant 2560 : index
      %get3A_543 = vector.load %arg5[%get3A_541, %get3A_542] : memref<8x4096xf32, #tpu.memory_space<vmem>>, vector<8x128xf32>
      %neg3A_544 = arith.constant 0.000000e+00 : f32
      %neg3A_545 = vector.broadcast %neg3A_544 : f32 to vector<8x128xf32>
      %neg3A_546 = arith.subf %neg3A_545, %add3A_540 : vector<8x128xf32>
      %div3A_547 = arith.divf %neg3A_546, %broadcast_in_dim3A_118 : vector<8x128xf32>
      %exp3A_548 = math.exp %div3A_547 : vector<8x128xf32>
      %add3A_549 = arith.addf %get3A_543, %exp3A_548 : vector<8x128xf32>
      %swap3A_550 = arith.constant 0 : index
      %swap3A_551 = arith.constant 2560 : index
      %swap3A_552 = vector.load %arg5[%swap3A_550, %swap3A_551] : memref<8x4096xf32, #tpu.memory_space<vmem>>, vector<8x128xf32>
      tpu.vector_store %arg5[%swap3A_550, %swap3A_551], %add3A_549 {strides = array<i32>} : memref<8x4096xf32, #tpu.memory_space<vmem>>, vector<8x128xf32>,
      %sub3A_553 = arith.subf %slice3A_42, %scan3A_134 : vector<8x128xf32>
      %sub3A_554 = arith.subf %slice3A_74, %scan3A_135 : vector<8x128xf32>
      %sub3A_555 = arith.subf %slice3A_106, %scan3A_136 : vector<8x128xf32>
      %mul3A_556 = arith.mulf %sub3A_553, %sub3A_553 : vector<8x128xf32>
      %mul3A_557 = arith.mulf %sub3A_555, %sub3A_555 : vector<8x128xf32>
      %add3A_558 = arith.addf %mul3A_556, %mul3A_557 : vector<8x128xf32>
      %mul3A_559 = arith.mulf %sub3A_554, %sub3A_554 : vector<8x128xf32>
      %add3A_560 = arith.addf %add3A_558, %mul3A_559 : vector<8x128xf32>
      %get3A_561 = arith.constant 0 : index
      %get3A_562 = arith.constant 2688 : index
      %get3A_563 = vector.load %arg5[%get3A_561, %get3A_562] : memref<8x4096xf32, #tpu.memory_space<vmem>>, vector<8x128xf32>
      %neg3A_564 = arith.constant 0.000000e+00 : f32
      %neg3A_565 = vector.broadcast %neg3A_564 : f32 to vector<8x128xf32>
      %neg3A_566 = arith.subf %neg3A_565, %add3A_560 : vector<8x128xf32>
      %div3A_567 = arith.divf %neg3A_566, %broadcast_in_dim3A_118 : vector<8x128xf32>
      %exp3A_568 = math.exp %div3A_567 : vector<8x128xf32>
      %add3A_569 = arith.addf %get3A_563, %exp3A_568 : vector<8x128xf32>
      %swap3A_570 = arith.constant 0 : index
      %swap3A_571 = arith.constant 2688 : index
      %swap3A_572 = vector.load %arg5[%swap3A_570, %swap3A_571] : memref<8x4096xf32, #tpu.memory_space<vmem>>, vector<8x128xf32>
      tpu.vector_store %arg5[%swap3A_570, %swap3A_571], %add3A_569 {strides = array<i32>} : memref<8x4096xf32, #tpu.memory_space<vmem>>, vector<8x128xf32>,
      %sub3A_573 = arith.subf %slice3A_43, %scan3A_134 : vector<8x128xf32>
      %sub3A_574 = arith.subf %slice3A_75, %scan3A_135 : vector<8x128xf32>
      %sub3A_575 = arith.subf %slice3A_107, %scan3A_136 : vector<8x128xf32>
      %mul3A_576 = arith.mulf %sub3A_573, %sub3A_573 : vector<8x128xf32>
      %mul3A_577 = arith.mulf %sub3A_575, %sub3A_575 : vector<8x128xf32>
      %add3A_578 = arith.addf %mul3A_576, %mul3A_577 : vector<8x128xf32>
      %mul3A_579 = arith.mulf %sub3A_574, %sub3A_574 : vector<8x128xf32>
      %add3A_580 = arith.addf %add3A_578, %mul3A_579 : vector<8x128xf32>
      %get3A_581 = arith.constant 0 : index
      %get3A_582 = arith.constant 2816 : index
      %get3A_583 = vector.load %arg5[%get3A_581, %get3A_582] : memref<8x4096xf32, #tpu.memory_space<vmem>>, vector<8x128xf32>
      %neg3A_584 = arith.constant 0.000000e+00 : f32
      %neg3A_585 = vector.broadcast %neg3A_584 : f32 to vector<8x128xf32>
      %neg3A_586 = arith.subf %neg3A_585, %add3A_580 : vector<8x128xf32>
      %div3A_587 = arith.divf %neg3A_586, %broadcast_in_dim3A_118 : vector<8x128xf32>
      %exp3A_588 = math.exp %div3A_587 : vector<8x128xf32>
      %add3A_589 = arith.addf %get3A_583, %exp3A_588 : vector<8x128xf32>
      %swap3A_590 = arith.constant 0 : index
      %swap3A_591 = arith.constant 2816 : index
      %swap3A_592 = vector.load %arg5[%swap3A_590, %swap3A_591] : memref<8x4096xf32, #tpu.memory_space<vmem>>, vector<8x128xf32>
      tpu.vector_store %arg5[%swap3A_590, %swap3A_591], %add3A_589 {strides = array<i32>} : memref<8x4096xf32, #tpu.memory_space<vmem>>, vector<8x128xf32>,
      %sub3A_593 = arith.subf %slice3A_44, %scan3A_134 : vector<8x128xf32>
      %sub3A_594 = arith.subf %slice3A_76, %scan3A_135 : vector<8x128xf32>
      %sub3A_595 = arith.subf %slice3A_108, %scan3A_136 : vector<8x128xf32>
      %mul3A_596 = arith.mulf %sub3A_593, %sub3A_593 : vector<8x128xf32>
      %mul3A_597 = arith.mulf %sub3A_595, %sub3A_595 : vector<8x128xf32>
      %add3A_598 = arith.addf %mul3A_596, %mul3A_597 : vector<8x128xf32>
      %mul3A_599 = arith.mulf %sub3A_594, %sub3A_594 : vector<8x128xf32>
      %add3A_600 = arith.addf %add3A_598, %mul3A_599 : vector<8x128xf32>
      %get3A_601 = arith.constant 0 : index
      %get3A_602 = arith.constant 2944 : index
      %get3A_603 = vector.load %arg5[%get3A_601, %get3A_602] : memref<8x4096xf32, #tpu.memory_space<vmem>>, vector<8x128xf32>
      %neg3A_604 = arith.constant 0.000000e+00 : f32
      %neg3A_605 = vector.broadcast %neg3A_604 : f32 to vector<8x128xf32>
      %neg3A_606 = arith.subf %neg3A_605, %add3A_600 : vector<8x128xf32>
      %div3A_607 = arith.divf %neg3A_606, %broadcast_in_dim3A_118 : vector<8x128xf32>
      %exp3A_608 = math.exp %div3A_607 : vector<8x128xf32>
      %add3A_609 = arith.addf %get3A_603, %exp3A_608 : vector<8x128xf32>
      %swap3A_610 = arith.constant 0 : index
      %swap3A_611 = arith.constant 2944 : index
      %swap3A_612 = vector.load %arg5[%swap3A_610, %swap3A_611] : memref<8x4096xf32, #tpu.memory_space<vmem>>, vector<8x128xf32>
      tpu.vector_store %arg5[%swap3A_610, %swap3A_611], %add3A_609 {strides = array<i32>} : memref<8x4096xf32, #tpu.memory_space<vmem>>, vector<8x128xf32>,
      %sub3A_613 = arith.subf %slice3A_45, %scan3A_134 : vector<8x128xf32>
      %sub3A_614 = arith.subf %slice3A_77, %scan3A_135 : vector<8x128xf32>
      %sub3A_615 = arith.subf %slice3A_109, %scan3A_136 : vector<8x128xf32>
      %mul3A_616 = arith.mulf %sub3A_613, %sub3A_613 : vector<8x128xf32>
      %mul3A_617 = arith.mulf %sub3A_615, %sub3A_615 : vector<8x128xf32>
      %add3A_618 = arith.addf %mul3A_616, %mul3A_617 : vector<8x128xf32>
      %mul3A_619 = arith.mulf %sub3A_614, %sub3A_614 : vector<8x128xf32>
      %add3A_620 = arith.addf %add3A_618, %mul3A_619 : vector<8x128xf32>
      %get3A_621 = arith.constant 0 : index
      %get3A_622 = arith.constant 3072 : index
      %get3A_623 = vector.load %arg5[%get3A_621, %get3A_622] : memref<8x4096xf32, #tpu.memory_space<vmem>>, vector<8x128xf32>
      %neg3A_624 = arith.constant 0.000000e+00 : f32
      %neg3A_625 = vector.broadcast %neg3A_624 : f32 to vector<8x128xf32>
      %neg3A_626 = arith.subf %neg3A_625, %add3A_620 : vector<8x128xf32>
      %div3A_627 = arith.divf %neg3A_626, %broadcast_in_dim3A_118 : vector<8x128xf32>
      %exp3A_628 = math.exp %div3A_627 : vector<8x128xf32>
      %add3A_629 = arith.addf %get3A_623, %exp3A_628 : vector<8x128xf32>
      %swap3A_630 = arith.constant 0 : index
      %swap3A_631 = arith.constant 3072 : index
      %swap3A_632 = vector.load %arg5[%swap3A_630, %swap3A_631] : memref<8x4096xf32, #tpu.memory_space<vmem>>, vector<8x128xf32>
      tpu.vector_store %arg5[%swap3A_630, %swap3A_631], %add3A_629 {strides = array<i32>} : memref<8x4096xf32, #tpu.memory_space<vmem>>, vector<8x128xf32>,
      %sub3A_633 = arith.subf %slice3A_46, %scan3A_134 : vector<8x128xf32>
      %sub3A_634 = arith.subf %slice3A_78, %scan3A_135 : vector<8x128xf32>
      %sub3A_635 = arith.subf %slice3A_110, %scan3A_136 : vector<8x128xf32>
      %mul3A_636 = arith.mulf %sub3A_633, %sub3A_633 : vector<8x128xf32>
      %mul3A_637 = arith.mulf %sub3A_635, %sub3A_635 : vector<8x128xf32>
      %add3A_638 = arith.addf %mul3A_636, %mul3A_637 : vector<8x128xf32>
      %mul3A_639 = arith.mulf %sub3A_634, %sub3A_634 : vector<8x128xf32>
      %add3A_640 = arith.addf %add3A_638, %mul3A_639 : vector<8x128xf32>
      %get3A_641 = arith.constant 0 : index
      %get3A_642 = arith.constant 3200 : index
      %get3A_643 = vector.load %arg5[%get3A_641, %get3A_642] : memref<8x4096xf32, #tpu.memory_space<vmem>>, vector<8x128xf32>
      %neg3A_644 = arith.constant 0.000000e+00 : f32
      %neg3A_645 = vector.broadcast %neg3A_644 : f32 to vector<8x128xf32>
      %neg3A_646 = arith.subf %neg3A_645, %add3A_640 : vector<8x128xf32>
      %div3A_647 = arith.divf %neg3A_646, %broadcast_in_dim3A_118 : vector<8x128xf32>
      %exp3A_648 = math.exp %div3A_647 : vector<8x128xf32>
      %add3A_649 = arith.addf %get3A_643, %exp3A_648 : vector<8x128xf32>
      %swap3A_650 = arith.constant 0 : index
      %swap3A_651 = arith.constant 3200 : index
      %swap3A_652 = vector.load %arg5[%swap3A_650, %swap3A_651] : memref<8x4096xf32, #tpu.memory_space<vmem>>, vector<8x128xf32>
      tpu.vector_store %arg5[%swap3A_650, %swap3A_651], %add3A_649 {strides = array<i32>} : memref<8x4096xf32, #tpu.memory_space<vmem>>, vector<8x128xf32>,
      %sub3A_653 = arith.subf %slice3A_47, %scan3A_134 : vector<8x128xf32>
      %sub3A_654 = arith.subf %slice3A_79, %scan3A_135 : vector<8x128xf32>
      %sub3A_655 = arith.subf %slice3A_111, %scan3A_136 : vector<8x128xf32>
      %mul3A_656 = arith.mulf %sub3A_653, %sub3A_653 : vector<8x128xf32>
      %mul3A_657 = arith.mulf %sub3A_655, %sub3A_655 : vector<8x128xf32>
      %add3A_658 = arith.addf %mul3A_656, %mul3A_657 : vector<8x128xf32>
      %mul3A_659 = arith.mulf %sub3A_654, %sub3A_654 : vector<8x128xf32>
      %add3A_660 = arith.addf %add3A_658, %mul3A_659 : vector<8x128xf32>
      %get3A_661 = arith.constant 0 : index
      %get3A_662 = arith.constant 3328 : index
      %get3A_663 = vector.load %arg5[%get3A_661, %get3A_662] : memref<8x4096xf32, #tpu.memory_space<vmem>>, vector<8x128xf32>
      %neg3A_664 = arith.constant 0.000000e+00 : f32
      %neg3A_665 = vector.broadcast %neg3A_664 : f32 to vector<8x128xf32>
      %neg3A_666 = arith.subf %neg3A_665, %add3A_660 : vector<8x128xf32>
      %div3A_667 = arith.divf %neg3A_666, %broadcast_in_dim3A_118 : vector<8x128xf32>
      %exp3A_668 = math.exp %div3A_667 : vector<8x128xf32>
      %add3A_669 = arith.addf %get3A_663, %exp3A_668 : vector<8x128xf32>
      %swap3A_670 = arith.constant 0 : index
      %swap3A_671 = arith.constant 3328 : index
      %swap3A_672 = vector.load %arg5[%swap3A_670, %swap3A_671] : memref<8x4096xf32, #tpu.memory_space<vmem>>, vector<8x128xf32>
      tpu.vector_store %arg5[%swap3A_670, %swap3A_671], %add3A_669 {strides = array<i32>} : memref<8x4096xf32, #tpu.memory_space<vmem>>, vector<8x128xf32>,
      %sub3A_673 = arith.subf %slice3A_48, %scan3A_134 : vector<8x128xf32>
      %sub3A_674 = arith.subf %slice3A_80, %scan3A_135 : vector<8x128xf32>
      %sub3A_675 = arith.subf %slice3A_112, %scan3A_136 : vector<8x128xf32>
      %mul3A_676 = arith.mulf %sub3A_673, %sub3A_673 : vector<8x128xf32>
      %mul3A_677 = arith.mulf %sub3A_675, %sub3A_675 : vector<8x128xf32>
      %add3A_678 = arith.addf %mul3A_676, %mul3A_677 : vector<8x128xf32>
      %mul3A_679 = arith.mulf %sub3A_674, %sub3A_674 : vector<8x128xf32>
      %add3A_680 = arith.addf %add3A_678, %mul3A_679 : vector<8x128xf32>
      %get3A_681 = arith.constant 0 : index
      %get3A_682 = arith.constant 3456 : index
      %get3A_683 = vector.load %arg5[%get3A_681, %get3A_682] : memref<8x4096xf32, #tpu.memory_space<vmem>>, vector<8x128xf32>
      %neg3A_684 = arith.constant 0.000000e+00 : f32
      %neg3A_685 = vector.broadcast %neg3A_684 : f32 to vector<8x128xf32>
      %neg3A_686 = arith.subf %neg3A_685, %add3A_680 : vector<8x128xf32>
      %div3A_687 = arith.divf %neg3A_686, %broadcast_in_dim3A_118 : vector<8x128xf32>
      %exp3A_688 = math.exp %div3A_687 : vector<8x128xf32>
      %add3A_689 = arith.addf %get3A_683, %exp3A_688 : vector<8x128xf32>
      %swap3A_690 = arith.constant 0 : index
      %swap3A_691 = arith.constant 3456 : index
      %swap3A_692 = vector.load %arg5[%swap3A_690, %swap3A_691] : memref<8x4096xf32, #tpu.memory_space<vmem>>, vector<8x128xf32>
      tpu.vector_store %arg5[%swap3A_690, %swap3A_691], %add3A_689 {strides = array<i32>} : memref<8x4096xf32, #tpu.memory_space<vmem>>, vector<8x128xf32>,
      %sub3A_693 = arith.subf %slice3A_49, %scan3A_134 : vector<8x128xf32>
      %sub3A_694 = arith.subf %slice3A_81, %scan3A_135 : vector<8x128xf32>
      %sub3A_695 = arith.subf %slice3A_113, %scan3A_136 : vector<8x128xf32>
      %mul3A_696 = arith.mulf %sub3A_693, %sub3A_693 : vector<8x128xf32>
      %mul3A_697 = arith.mulf %sub3A_695, %sub3A_695 : vector<8x128xf32>
      %add3A_698 = arith.addf %mul3A_696, %mul3A_697 : vector<8x128xf32>
      %mul3A_699 = arith.mulf %sub3A_694, %sub3A_694 : vector<8x128xf32>
      %add3A_700 = arith.addf %add3A_698, %mul3A_699 : vector<8x128xf32>
      %get3A_701 = arith.constant 0 : index
      %get3A_702 = arith.constant 3584 : index
      %get3A_703 = vector.load %arg5[%get3A_701, %get3A_702] : memref<8x4096xf32, #tpu.memory_space<vmem>>, vector<8x128xf32>
      %neg3A_704 = arith.constant 0.000000e+00 : f32
      %neg3A_705 = vector.broadcast %neg3A_704 : f32 to vector<8x128xf32>
      %neg3A_706 = arith.subf %neg3A_705, %add3A_700 : vector<8x128xf32>
      %div3A_707 = arith.divf %neg3A_706, %broadcast_in_dim3A_118 : vector<8x128xf32>
      %exp3A_708 = math.exp %div3A_707 : vector<8x128xf32>
      %add3A_709 = arith.addf %get3A_703, %exp3A_708 : vector<8x128xf32>
      %swap3A_710 = arith.constant 0 : index
      %swap3A_711 = arith.constant 3584 : index
      %swap3A_712 = vector.load %arg5[%swap3A_710, %swap3A_711] : memref<8x4096xf32, #tpu.memory_space<vmem>>, vector<8x128xf32>
      tpu.vector_store %arg5[%swap3A_710, %swap3A_711], %add3A_709 {strides = array<i32>} : memref<8x4096xf32, #tpu.memory_space<vmem>>, vector<8x128xf32>,
      %sub3A_713 = arith.subf %slice3A_50, %scan3A_134 : vector<8x128xf32>
      %sub3A_714 = arith.subf %slice3A_82, %scan3A_135 : vector<8x128xf32>
      %sub3A_715 = arith.subf %slice3A_114, %scan3A_136 : vector<8x128xf32>
      %mul3A_716 = arith.mulf %sub3A_713, %sub3A_713 : vector<8x128xf32>
      %mul3A_717 = arith.mulf %sub3A_715, %sub3A_715 : vector<8x128xf32>
      %add3A_718 = arith.addf %mul3A_716, %mul3A_717 : vector<8x128xf32>
      %mul3A_719 = arith.mulf %sub3A_714, %sub3A_714 : vector<8x128xf32>
      %add3A_720 = arith.addf %add3A_718, %mul3A_719 : vector<8x128xf32>
      %get3A_721 = arith.constant 0 : index
      %get3A_722 = arith.constant 3712 : index
      %get3A_723 = vector.load %arg5[%get3A_721, %get3A_722] : memref<8x4096xf32, #tpu.memory_space<vmem>>, vector<8x128xf32>
      %neg3A_724 = arith.constant 0.000000e+00 : f32
      %neg3A_725 = vector.broadcast %neg3A_724 : f32 to vector<8x128xf32>
      %neg3A_726 = arith.subf %neg3A_725, %add3A_720 : vector<8x128xf32>
      %div3A_727 = arith.divf %neg3A_726, %broadcast_in_dim3A_118 : vector<8x128xf32>
      %exp3A_728 = math.exp %div3A_727 : vector<8x128xf32>
      %add3A_729 = arith.addf %get3A_723, %exp3A_728 : vector<8x128xf32>
      %swap3A_730 = arith.constant 0 : index
      %swap3A_731 = arith.constant 3712 : index
      %swap3A_732 = vector.load %arg5[%swap3A_730, %swap3A_731] : memref<8x4096xf32, #tpu.memory_space<vmem>>, vector<8x128xf32>
      tpu.vector_store %arg5[%swap3A_730, %swap3A_731], %add3A_729 {strides = array<i32>} : memref<8x4096xf32, #tpu.memory_space<vmem>>, vector<8x128xf32>,
      %sub3A_733 = arith.subf %slice3A_51, %scan3A_134 : vector<8x128xf32>
      %sub3A_734 = arith.subf %slice3A_83, %scan3A_135 : vector<8x128xf32>
      %sub3A_735 = arith.subf %slice3A_115, %scan3A_136 : vector<8x128xf32>
      %mul3A_736 = arith.mulf %sub3A_733, %sub3A_733 : vector<8x128xf32>
      %mul3A_737 = arith.mulf %sub3A_735, %sub3A_735 : vector<8x128xf32>
      %add3A_738 = arith.addf %mul3A_736, %mul3A_737 : vector<8x128xf32>
      %mul3A_739 = arith.mulf %sub3A_734, %sub3A_734 : vector<8x128xf32>
      %add3A_740 = arith.addf %add3A_738, %mul3A_739 : vector<8x128xf32>
      %get3A_741 = arith.constant 0 : index
      %get3A_742 = arith.constant 3840 : index
      %get3A_743 = vector.load %arg5[%get3A_741, %get3A_742] : memref<8x4096xf32, #tpu.memory_space<vmem>>, vector<8x128xf32>
      %neg3A_744 = arith.constant 0.000000e+00 : f32
      %neg3A_745 = vector.broadcast %neg3A_744 : f32 to vector<8x128xf32>
      %neg3A_746 = arith.subf %neg3A_745, %add3A_740 : vector<8x128xf32>
      %div3A_747 = arith.divf %neg3A_746, %broadcast_in_dim3A_118 : vector<8x128xf32>
      %exp3A_748 = math.exp %div3A_747 : vector<8x128xf32>
      %add3A_749 = arith.addf %get3A_743, %exp3A_748 : vector<8x128xf32>
      %swap3A_750 = arith.constant 0 : index
      %swap3A_751 = arith.constant 3840 : index
      %swap3A_752 = vector.load %arg5[%swap3A_750, %swap3A_751] : memref<8x4096xf32, #tpu.memory_space<vmem>>, vector<8x128xf32>
      tpu.vector_store %arg5[%swap3A_750, %swap3A_751], %add3A_749 {strides = array<i32>} : memref<8x4096xf32, #tpu.memory_space<vmem>>, vector<8x128xf32>,
      %sub3A_753 = arith.subf %slice3A_52, %scan3A_134 : vector<8x128xf32>
      %sub3A_754 = arith.subf %slice3A_84, %scan3A_135 : vector<8x128xf32>
      %sub3A_755 = arith.subf %slice3A_116, %scan3A_136 : vector<8x128xf32>
      %mul3A_756 = arith.mulf %sub3A_753, %sub3A_753 : vector<8x128xf32>
      %mul3A_757 = arith.mulf %sub3A_755, %sub3A_755 : vector<8x128xf32>
      %add3A_758 = arith.addf %mul3A_756, %mul3A_757 : vector<8x128xf32>
      %mul3A_759 = arith.mulf %sub3A_754, %sub3A_754 : vector<8x128xf32>
      %add3A_760 = arith.addf %add3A_758, %mul3A_759 : vector<8x128xf32>
      %get3A_761 = arith.constant 0 : index
      %get3A_762 = arith.constant 3968 : index
      %get3A_763 = vector.load %arg5[%get3A_761, %get3A_762] : memref<8x4096xf32, #tpu.memory_space<vmem>>, vector<8x128xf32>
      %neg3A_764 = arith.constant 0.000000e+00 : f32
      %neg3A_765 = vector.broadcast %neg3A_764 : f32 to vector<8x128xf32>
      %neg3A_766 = arith.subf %neg3A_765, %add3A_760 : vector<8x128xf32>
      %div3A_767 = arith.divf %neg3A_766, %broadcast_in_dim3A_118 : vector<8x128xf32>
      %exp3A_768 = math.exp %div3A_767 : vector<8x128xf32>
      %add3A_769 = arith.addf %get3A_763, %exp3A_768 : vector<8x128xf32>
      %swap3A_770 = arith.constant 0 : index
      %swap3A_771 = arith.constant 3968 : index
      %swap3A_772 = vector.load %arg5[%swap3A_770, %swap3A_771] : memref<8x4096xf32, #tpu.memory_space<vmem>>, vector<8x128xf32>
      tpu.vector_store %arg5[%swap3A_770, %swap3A_771], %add3A_769 {strides = array<i32>} : memref<8x4096xf32, #tpu.memory_space<vmem>>, vector<8x128xf32>,
      %min3A = arith.minimumf %add3A_149, %add3A_169 : vector<8x128xf32>
      %min3A_773 = arith.minimumf %min3A, %add3A_189 : vector<8x128xf32>
      %min3A_774 = arith.minimumf %min3A_773, %add3A_209 : vector<8x128xf32>
      %min3A_775 = arith.minimumf %min3A_774, %add3A_229 : vector<8x128xf32>
      %min3A_776 = arith.minimumf %min3A_775, %add3A_249 : vector<8x128xf32>
      %min3A_777 = arith.minimumf %min3A_776, %add3A_269 : vector<8x128xf32>
      %min3A_778 = arith.minimumf %min3A_777, %add3A_289 : vector<8x128xf32>
      %min3A_779 = arith.minimumf %min3A_778, %add3A_309 : vector<8x128xf32>
      %min3A_780 = arith.minimumf %min3A_779, %add3A_329 : vector<8x128xf32>
      %min3A_781 = arith.minimumf %min3A_780, %add3A_349 : vector<8x128xf32>
      %min3A_782 = arith.minimumf %min3A_781, %add3A_369 : vector<8x128xf32>
      %min3A_783 = arith.minimumf %min3A_782, %add3A_389 : vector<8x128xf32>
      %min3A_784 = arith.minimumf %min3A_783, %add3A_409 : vector<8x128xf32>
      %min3A_785 = arith.minimumf %min3A_784, %add3A_429 : vector<8x128xf32>
      %min3A_786 = arith.minimumf %min3A_785, %add3A_449 : vector<8x128xf32>
      %min3A_787 = arith.minimumf %min3A_786, %add3A_469 : vector<8x128xf32>
      %min3A_788 = arith.minimumf %min3A_787, %add3A_489 : vector<8x128xf32>
      %min3A_789 = arith.minimumf %min3A_788, %add3A_509 : vector<8x128xf32>
      %min3A_790 = arith.minimumf %min3A_789, %add3A_529 : vector<8x128xf32>
      %min3A_791 = arith.minimumf %min3A_790, %add3A_549 : vector<8x128xf32>
      %min3A_792 = arith.minimumf %min3A_791, %add3A_569 : vector<8x128xf32>
      %min3A_793 = arith.minimumf %min3A_792, %add3A_589 : vector<8x128xf32>
      %min3A_794 = arith.minimumf %min3A_793, %add3A_609 : vector<8x128xf32>
      %min3A_795 = arith.minimumf %min3A_794, %add3A_629 : vector<8x128xf32>
      %min3A_796 = arith.minimumf %min3A_795, %add3A_649 : vector<8x128xf32>
      %min3A_797 = arith.minimumf %min3A_796, %add3A_669 : vector<8x128xf32>
      %min3A_798 = arith.minimumf %min3A_797, %add3A_689 : vector<8x128xf32>
      %min3A_799 = arith.minimumf %min3A_798, %add3A_709 : vector<8x128xf32>
      %min3A_800 = arith.minimumf %min3A_799, %add3A_729 : vector<8x128xf32>
      %min3A_801 = arith.minimumf %min3A_800, %add3A_749 : vector<8x128xf32>
      %min3A_802 = arith.minimumf %min3A_801, %add3A_769 : vector<8x128xf32>
      %reduce_min3A = arith.constant dense<0x7F800000> : vector<8xf32>
      %reduce_min3A_803 = vector.multi_reduction <minimumf>, %min3A_802, %reduce_min3A [1] : vector<8x128xf32> to vector<8xf32>
      %broadcast_in_dim3A_804 = vector.shape_cast %reduce_min3A_803 : vector<8xf32> to vector<8x1xf32>
      %broadcast_in_dim3A_805 = vector.shape_cast %broadcast_in_dim3A_804 : vector<8x1xf32> to vector<8x1xf32>
      %broadcast_in_dim3A_806 = vector.broadcast %broadcast_in_dim3A_805 : vector<8x1xf32> to vector<8x128xf32>
      %eq3A_807 = arith.cmpf oeq, %add3A_149, %broadcast_in_dim3A_806 : vector<8x128xf32>
      %add3A_808 = arith.constant 0 : i32
      %add3A_809 = vector.broadcast %add3A_808 : i32 to vector<8x128xi32>
      %add3A_810 = arith.addi %iota3A, %add3A_809 : vector<8x128xi32>
      %jit3A_811 = arith.constant 4096 : i32
      %broadcast_in_dim3A_812 = vector.broadcast %jit3A_811 : i32 to vector<8x128xi32>
      %select_n3A_813 = arith.select %eq3A_807, %add3A_810, %broadcast_in_dim3A_812 : vector<8x128xi1>, vector<8x128xi32>
      %eq3A_814 = arith.cmpf oeq, %add3A_169, %broadcast_in_dim3A_806 : vector<8x128xf32>
      %add3A_815 = arith.constant 128 : i32
      %add3A_816 = vector.broadcast %add3A_815 : i32 to vector<8x128xi32>
      %add3A_817 = arith.addi %iota3A, %add3A_816 : vector<8x128xi32>
      %jit3A_818 = arith.constant 4096 : i32
      %broadcast_in_dim3A_819 = vector.broadcast %jit3A_818 : i32 to vector<8x128xi32>
      %select_n3A_820 = arith.select %eq3A_814, %add3A_817, %broadcast_in_dim3A_819 : vector<8x128xi1>, vector<8x128xi32>
      %eq3A_821 = arith.cmpf oeq, %add3A_189, %broadcast_in_dim3A_806 : vector<8x128xf32>
      %add3A_822 = arith.constant 256 : i32
      %add3A_823 = vector.broadcast %add3A_822 : i32 to vector<8x128xi32>
      %add3A_824 = arith.addi %iota3A, %add3A_823 : vector<8x128xi32>
      %jit3A_825 = arith.constant 4096 : i32
      %broadcast_in_dim3A_826 = vector.broadcast %jit3A_825 : i32 to vector<8x128xi32>
      %select_n3A_827 = arith.select %eq3A_821, %add3A_824, %broadcast_in_dim3A_826 : vector<8x128xi1>, vector<8x128xi32>
      %eq3A_828 = arith.cmpf oeq, %add3A_209, %broadcast_in_dim3A_806 : vector<8x128xf32>
      %add3A_829 = arith.constant 384 : i32
      %add3A_830 = vector.broadcast %add3A_829 : i32 to vector<8x128xi32>
      %add3A_831 = arith.addi %iota3A, %add3A_830 : vector<8x128xi32>
      %jit3A_832 = arith.constant 4096 : i32
      %broadcast_in_dim3A_833 = vector.broadcast %jit3A_832 : i32 to vector<8x128xi32>
      %select_n3A_834 = arith.select %eq3A_828, %add3A_831, %broadcast_in_dim3A_833 : vector<8x128xi1>, vector<8x128xi32>
      %eq3A_835 = arith.cmpf oeq, %add3A_229, %broadcast_in_dim3A_806 : vector<8x128xf32>
      %add3A_836 = arith.constant 512 : i32
      %add3A_837 = vector.broadcast %add3A_836 : i32 to vector<8x128xi32>
      %add3A_838 = arith.addi %iota3A, %add3A_837 : vector<8x128xi32>
      %jit3A_839 = arith.constant 4096 : i32
      %broadcast_in_dim3A_840 = vector.broadcast %jit3A_839 : i32 to vector<8x128xi32>
      %select_n3A_841 = arith.select %eq3A_835, %add3A_838, %broadcast_in_dim3A_840 : vector<8x128xi1>, vector<8x128xi32>
      %eq3A_842 = arith.cmpf oeq, %add3A_249, %broadcast_in_dim3A_806 : vector<8x128xf32>
      %add3A_843 = arith.constant 640 : i32
      %add3A_844 = vector.broadcast %add3A_843 : i32 to vector<8x128xi32>
      %add3A_845 = arith.addi %iota3A, %add3A_844 : vector<8x128xi32>
      %jit3A_846 = arith.constant 4096 : i32
      %broadcast_in_dim3A_847 = vector.broadcast %jit3A_846 : i32 to vector<8x128xi32>
      %select_n3A_848 = arith.select %eq3A_842, %add3A_845, %broadcast_in_dim3A_847 : vector<8x128xi1>, vector<8x128xi32>
      %eq3A_849 = arith.cmpf oeq, %add3A_269, %broadcast_in_dim3A_806 : vector<8x128xf32>
      %add3A_850 = arith.constant 768 : i32
      %add3A_851 = vector.broadcast %add3A_850 : i32 to vector<8x128xi32>
      %add3A_852 = arith.addi %iota3A, %add3A_851 : vector<8x128xi32>
      %jit3A_853 = arith.constant 4096 : i32
      %broadcast_in_dim3A_854 = vector.broadcast %jit3A_853 : i32 to vector<8x128xi32>
      %select_n3A_855 = arith.select %eq3A_849, %add3A_852, %broadcast_in_dim3A_854 : vector<8x128xi1>, vector<8x128xi32>
      %eq3A_856 = arith.cmpf oeq, %add3A_289, %broadcast_in_dim3A_806 : vector<8x128xf32>
      %add3A_857 = arith.constant 896 : i32
      %add3A_858 = vector.broadcast %add3A_857 : i32 to vector<8x128xi32>
      %add3A_859 = arith.addi %iota3A, %add3A_858 : vector<8x128xi32>
      %jit3A_860 = arith.constant 4096 : i32
      %broadcast_in_dim3A_861 = vector.broadcast %jit3A_860 : i32 to vector<8x128xi32>
      %select_n3A_862 = arith.select %eq3A_856, %add3A_859, %broadcast_in_dim3A_861 : vector<8x128xi1>, vector<8x128xi32>
      %eq3A_863 = arith.cmpf oeq, %add3A_309, %broadcast_in_dim3A_806 : vector<8x128xf32>
      %add3A_864 = arith.constant 1024 : i32
      %add3A_865 = vector.broadcast %add3A_864 : i32 to vector<8x128xi32>
      %add3A_866 = arith.addi %iota3A, %add3A_865 : vector<8x128xi32>
      %jit3A_867 = arith.constant 4096 : i32
      %broadcast_in_dim3A_868 = vector.broadcast %jit3A_867 : i32 to vector<8x128xi32>
      %select_n3A_869 = arith.select %eq3A_863, %add3A_866, %broadcast_in_dim3A_868 : vector<8x128xi1>, vector<8x128xi32>
      %eq3A_870 = arith.cmpf oeq, %add3A_329, %broadcast_in_dim3A_806 : vector<8x128xf32>
      %add3A_871 = arith.constant 1152 : i32
      %add3A_872 = vector.broadcast %add3A_871 : i32 to vector<8x128xi32>
      %add3A_873 = arith.addi %iota3A, %add3A_872 : vector<8x128xi32>
      %jit3A_874 = arith.constant 4096 : i32
      %broadcast_in_dim3A_875 = vector.broadcast %jit3A_874 : i32 to vector<8x128xi32>
      %select_n3A_876 = arith.select %eq3A_870, %add3A_873, %broadcast_in_dim3A_875 : vector<8x128xi1>, vector<8x128xi32>
      %eq3A_877 = arith.cmpf oeq, %add3A_349, %broadcast_in_dim3A_806 : vector<8x128xf32>
      %add3A_878 = arith.constant 1280 : i32
      %add3A_879 = vector.broadcast %add3A_878 : i32 to vector<8x128xi32>
      %add3A_880 = arith.addi %iota3A, %add3A_879 : vector<8x128xi32>
      %jit3A_881 = arith.constant 4096 : i32
      %broadcast_in_dim3A_882 = vector.broadcast %jit3A_881 : i32 to vector<8x128xi32>
      %select_n3A_883 = arith.select %eq3A_877, %add3A_880, %broadcast_in_dim3A_882 : vector<8x128xi1>, vector<8x128xi32>
      %eq3A_884 = arith.cmpf oeq, %add3A_369, %broadcast_in_dim3A_806 : vector<8x128xf32>
      %add3A_885 = arith.constant 1408 : i32
      %add3A_886 = vector.broadcast %add3A_885 : i32 to vector<8x128xi32>
      %add3A_887 = arith.addi %iota3A, %add3A_886 : vector<8x128xi32>
      %jit3A_888 = arith.constant 4096 : i32
      %broadcast_in_dim3A_889 = vector.broadcast %jit3A_888 : i32 to vector<8x128xi32>
      %select_n3A_890 = arith.select %eq3A_884, %add3A_887, %broadcast_in_dim3A_889 : vector<8x128xi1>, vector<8x128xi32>
      %eq3A_891 = arith.cmpf oeq, %add3A_389, %broadcast_in_dim3A_806 : vector<8x128xf32>
      %add3A_892 = arith.constant 1536 : i32
      %add3A_893 = vector.broadcast %add3A_892 : i32 to vector<8x128xi32>
      %add3A_894 = arith.addi %iota3A, %add3A_893 : vector<8x128xi32>
      %jit3A_895 = arith.constant 4096 : i32
      %broadcast_in_dim3A_896 = vector.broadcast %jit3A_895 : i32 to vector<8x128xi32>
      %select_n3A_897 = arith.select %eq3A_891, %add3A_894, %broadcast_in_dim3A_896 : vector<8x128xi1>, vector<8x128xi32>
      %eq3A_898 = arith.cmpf oeq, %add3A_409, %broadcast_in_dim3A_806 : vector<8x128xf32>
      %add3A_899 = arith.constant 1664 : i32
      %add3A_900 = vector.broadcast %add3A_899 : i32 to vector<8x128xi32>
      %add3A_901 = arith.addi %iota3A, %add3A_900 : vector<8x128xi32>
      %jit3A_902 = arith.constant 4096 : i32
      %broadcast_in_dim3A_903 = vector.broadcast %jit3A_902 : i32 to vector<8x128xi32>
      %select_n3A_904 = arith.select %eq3A_898, %add3A_901, %broadcast_in_dim3A_903 : vector<8x128xi1>, vector<8x128xi32>
      %eq3A_905 = arith.cmpf oeq, %add3A_429, %broadcast_in_dim3A_806 : vector<8x128xf32>
      %add3A_906 = arith.constant 1792 : i32
      %add3A_907 = vector.broadcast %add3A_906 : i32 to vector<8x128xi32>
      %add3A_908 = arith.addi %iota3A, %add3A_907 : vector<8x128xi32>
      %jit3A_909 = arith.constant 4096 : i32
      %broadcast_in_dim3A_910 = vector.broadcast %jit3A_909 : i32 to vector<8x128xi32>
      %select_n3A_911 = arith.select %eq3A_905, %add3A_908, %broadcast_in_dim3A_910 : vector<8x128xi1>, vector<8x128xi32>
      %eq3A_912 = arith.cmpf oeq, %add3A_449, %broadcast_in_dim3A_806 : vector<8x128xf32>
      %add3A_913 = arith.constant 1920 : i32
      %add3A_914 = vector.broadcast %add3A_913 : i32 to vector<8x128xi32>
      %add3A_915 = arith.addi %iota3A, %add3A_914 : vector<8x128xi32>
      %jit3A_916 = arith.constant 4096 : i32
      %broadcast_in_dim3A_917 = vector.broadcast %jit3A_916 : i32 to vector<8x128xi32>
      %select_n3A_918 = arith.select %eq3A_912, %add3A_915, %broadcast_in_dim3A_917 : vector<8x128xi1>, vector<8x128xi32>
      %eq3A_919 = arith.cmpf oeq, %add3A_469, %broadcast_in_dim3A_806 : vector<8x128xf32>
      %add3A_920 = arith.constant 2048 : i32
      %add3A_921 = vector.broadcast %add3A_920 : i32 to vector<8x128xi32>
      %add3A_922 = arith.addi %iota3A, %add3A_921 : vector<8x128xi32>
      %jit3A_923 = arith.constant 4096 : i32
      %broadcast_in_dim3A_924 = vector.broadcast %jit3A_923 : i32 to vector<8x128xi32>
      %select_n3A_925 = arith.select %eq3A_919, %add3A_922, %broadcast_in_dim3A_924 : vector<8x128xi1>, vector<8x128xi32>
      %eq3A_926 = arith.cmpf oeq, %add3A_489, %broadcast_in_dim3A_806 : vector<8x128xf32>
      %add3A_927 = arith.constant 2176 : i32
      %add3A_928 = vector.broadcast %add3A_927 : i32 to vector<8x128xi32>
      %add3A_929 = arith.addi %iota3A, %add3A_928 : vector<8x128xi32>
      %jit3A_930 = arith.constant 4096 : i32
      %broadcast_in_dim3A_931 = vector.broadcast %jit3A_930 : i32 to vector<8x128xi32>
      %select_n3A_932 = arith.select %eq3A_926, %add3A_929, %broadcast_in_dim3A_931 : vector<8x128xi1>, vector<8x128xi32>
      %eq3A_933 = arith.cmpf oeq, %add3A_509, %broadcast_in_dim3A_806 : vector<8x128xf32>
      %add3A_934 = arith.constant 2304 : i32
      %add3A_935 = vector.broadcast %add3A_934 : i32 to vector<8x128xi32>
      %add3A_936 = arith.addi %iota3A, %add3A_935 : vector<8x128xi32>
      %jit3A_937 = arith.constant 4096 : i32
      %broadcast_in_dim3A_938 = vector.broadcast %jit3A_937 : i32 to vector<8x128xi32>
      %select_n3A_939 = arith.select %eq3A_933, %add3A_936, %broadcast_in_dim3A_938 : vector<8x128xi1>, vector<8x128xi32>
      %eq3A_940 = arith.cmpf oeq, %add3A_529, %broadcast_in_dim3A_806 : vector<8x128xf32>
      %add3A_941 = arith.constant 2432 : i32
      %add3A_942 = vector.broadcast %add3A_941 : i32 to vector<8x128xi32>
      %add3A_943 = arith.addi %iota3A, %add3A_942 : vector<8x128xi32>
      %jit3A_944 = arith.constant 4096 : i32
      %broadcast_in_dim3A_945 = vector.broadcast %jit3A_944 : i32 to vector<8x128xi32>
      %select_n3A_946 = arith.select %eq3A_940, %add3A_943, %broadcast_in_dim3A_945 : vector<8x128xi1>, vector<8x128xi32>
      %eq3A_947 = arith.cmpf oeq, %add3A_549, %broadcast_in_dim3A_806 : vector<8x128xf32>
      %add3A_948 = arith.constant 2560 : i32
      %add3A_949 = vector.broadcast %add3A_948 : i32 to vector<8x128xi32>
      %add3A_950 = arith.addi %iota3A, %add3A_949 : vector<8x128xi32>
      %jit3A_951 = arith.constant 4096 : i32
      %broadcast_in_dim3A_952 = vector.broadcast %jit3A_951 : i32 to vector<8x128xi32>
      %select_n3A_953 = arith.select %eq3A_947, %add3A_950, %broadcast_in_dim3A_952 : vector<8x128xi1>, vector<8x128xi32>
      %eq3A_954 = arith.cmpf oeq, %add3A_569, %broadcast_in_dim3A_806 : vector<8x128xf32>
      %add3A_955 = arith.constant 2688 : i32
      %add3A_956 = vector.broadcast %add3A_955 : i32 to vector<8x128xi32>
      %add3A_957 = arith.addi %iota3A, %add3A_956 : vector<8x128xi32>
      %jit3A_958 = arith.constant 4096 : i32
      %broadcast_in_dim3A_959 = vector.broadcast %jit3A_958 : i32 to vector<8x128xi32>
      %select_n3A_960 = arith.select %eq3A_954, %add3A_957, %broadcast_in_dim3A_959 : vector<8x128xi1>, vector<8x128xi32>
      %eq3A_961 = arith.cmpf oeq, %add3A_589, %broadcast_in_dim3A_806 : vector<8x128xf32>
      %add3A_962 = arith.constant 2816 : i32
      %add3A_963 = vector.broadcast %add3A_962 : i32 to vector<8x128xi32>
      %add3A_964 = arith.addi %iota3A, %add3A_963 : vector<8x128xi32>
      %jit3A_965 = arith.constant 4096 : i32
      %broadcast_in_dim3A_966 = vector.broadcast %jit3A_965 : i32 to vector<8x128xi32>
      %select_n3A_967 = arith.select %eq3A_961, %add3A_964, %broadcast_in_dim3A_966 : vector<8x128xi1>, vector<8x128xi32>
      %eq3A_968 = arith.cmpf oeq, %add3A_609, %broadcast_in_dim3A_806 : vector<8x128xf32>
      %add3A_969 = arith.constant 2944 : i32
      %add3A_970 = vector.broadcast %add3A_969 : i32 to vector<8x128xi32>
      %add3A_971 = arith.addi %iota3A, %add3A_970 : vector<8x128xi32>
      %jit3A_972 = arith.constant 4096 : i32
      %broadcast_in_dim3A_973 = vector.broadcast %jit3A_972 : i32 to vector<8x128xi32>
      %select_n3A_974 = arith.select %eq3A_968, %add3A_971, %broadcast_in_dim3A_973 : vector<8x128xi1>, vector<8x128xi32>
      %eq3A_975 = arith.cmpf oeq, %add3A_629, %broadcast_in_dim3A_806 : vector<8x128xf32>
      %add3A_976 = arith.constant 3072 : i32
      %add3A_977 = vector.broadcast %add3A_976 : i32 to vector<8x128xi32>
      %add3A_978 = arith.addi %iota3A, %add3A_977 : vector<8x128xi32>
      %jit3A_979 = arith.constant 4096 : i32
      %broadcast_in_dim3A_980 = vector.broadcast %jit3A_979 : i32 to vector<8x128xi32>
      %select_n3A_981 = arith.select %eq3A_975, %add3A_978, %broadcast_in_dim3A_980 : vector<8x128xi1>, vector<8x128xi32>
      %eq3A_982 = arith.cmpf oeq, %add3A_649, %broadcast_in_dim3A_806 : vector<8x128xf32>
      %add3A_983 = arith.constant 3200 : i32
      %add3A_984 = vector.broadcast %add3A_983 : i32 to vector<8x128xi32>
      %add3A_985 = arith.addi %iota3A, %add3A_984 : vector<8x128xi32>
      %jit3A_986 = arith.constant 4096 : i32
      %broadcast_in_dim3A_987 = vector.broadcast %jit3A_986 : i32 to vector<8x128xi32>
      %select_n3A_988 = arith.select %eq3A_982, %add3A_985, %broadcast_in_dim3A_987 : vector<8x128xi1>, vector<8x128xi32>
      %eq3A_989 = arith.cmpf oeq, %add3A_669, %broadcast_in_dim3A_806 : vector<8x128xf32>
      %add3A_990 = arith.constant 3328 : i32
      %add3A_991 = vector.broadcast %add3A_990 : i32 to vector<8x128xi32>
      %add3A_992 = arith.addi %iota3A, %add3A_991 : vector<8x128xi32>
      %jit3A_993 = arith.constant 4096 : i32
      %broadcast_in_dim3A_994 = vector.broadcast %jit3A_993 : i32 to vector<8x128xi32>
      %select_n3A_995 = arith.select %eq3A_989, %add3A_992, %broadcast_in_dim3A_994 : vector<8x128xi1>, vector<8x128xi32>
      %eq3A_996 = arith.cmpf oeq, %add3A_689, %broadcast_in_dim3A_806 : vector<8x128xf32>
      %add3A_997 = arith.constant 3456 : i32
      %add3A_998 = vector.broadcast %add3A_997 : i32 to vector<8x128xi32>
      %add3A_999 = arith.addi %iota3A, %add3A_998 : vector<8x128xi32>
      %jit3A_1000 = arith.constant 4096 : i32
      %broadcast_in_dim3A_1001 = vector.broadcast %jit3A_1000 : i32 to vector<8x128xi32>
      %select_n3A_1002 = arith.select %eq3A_996, %add3A_999, %broadcast_in_dim3A_1001 : vector<8x128xi1>, vector<8x128xi32>
      %eq3A_1003 = arith.cmpf oeq, %add3A_709, %broadcast_in_dim3A_806 : vector<8x128xf32>
      %add3A_1004 = arith.constant 3584 : i32
      %add3A_1005 = vector.broadcast %add3A_1004 : i32 to vector<8x128xi32>
      %add3A_1006 = arith.addi %iota3A, %add3A_1005 : vector<8x128xi32>
      %jit3A_1007 = arith.constant 4096 : i32
      %broadcast_in_dim3A_1008 = vector.broadcast %jit3A_1007 : i32 to vector<8x128xi32>
      %select_n3A_1009 = arith.select %eq3A_1003, %add3A_1006, %broadcast_in_dim3A_1008 : vector<8x128xi1>, vector<8x128xi32>
      %eq3A_1010 = arith.cmpf oeq, %add3A_729, %broadcast_in_dim3A_806 : vector<8x128xf32>
      %add3A_1011 = arith.constant 3712 : i32
      %add3A_1012 = vector.broadcast %add3A_1011 : i32 to vector<8x128xi32>
      %add3A_1013 = arith.addi %iota3A, %add3A_1012 : vector<8x128xi32>
      %jit3A_1014 = arith.constant 4096 : i32
      %broadcast_in_dim3A_1015 = vector.broadcast %jit3A_1014 : i32 to vector<8x128xi32>
      %select_n3A_1016 = arith.select %eq3A_1010, %add3A_1013, %broadcast_in_dim3A_1015 : vector<8x128xi1>, vector<8x128xi32>
      %eq3A_1017 = arith.cmpf oeq, %add3A_749, %broadcast_in_dim3A_806 : vector<8x128xf32>
      %add3A_1018 = arith.constant 3840 : i32
      %add3A_1019 = vector.broadcast %add3A_1018 : i32 to vector<8x128xi32>
      %add3A_1020 = arith.addi %iota3A, %add3A_1019 : vector<8x128xi32>
      %jit3A_1021 = arith.constant 4096 : i32
      %broadcast_in_dim3A_1022 = vector.broadcast %jit3A_1021 : i32 to vector<8x128xi32>
      %select_n3A_1023 = arith.select %eq3A_1017, %add3A_1020, %broadcast_in_dim3A_1022 : vector<8x128xi1>, vector<8x128xi32>
      %eq3A_1024 = arith.cmpf oeq, %add3A_769, %broadcast_in_dim3A_806 : vector<8x128xf32>
      %add3A_1025 = arith.constant 3968 : i32
      %add3A_1026 = vector.broadcast %add3A_1025 : i32 to vector<8x128xi32>
      %add3A_1027 = arith.addi %iota3A, %add3A_1026 : vector<8x128xi32>
      %jit3A_1028 = arith.constant 4096 : i32
      %broadcast_in_dim3A_1029 = vector.broadcast %jit3A_1028 : i32 to vector<8x128xi32>
      %select_n3A_1030 = arith.select %eq3A_1024, %add3A_1027, %broadcast_in_dim3A_1029 : vector<8x128xi1>, vector<8x128xi32>
      %le3A = arith.cmpi sle, %select_n3A_813, %select_n3A_925 : vector<8x128xi32>
      %min3A_1031 = arith.minsi %select_n3A_813, %select_n3A_925 : vector<8x128xi32>
      %select_n3A_1032 = arith.select %le3A, %slice3A, %slice3A_37 : vector<8x128xi1>, vector<8x128xf32>
      %select_n3A_1033 = arith.select %le3A, %slice3A_53, %slice3A_69 : vector<8x128xi1>, vector<8x128xf32>
      %select_n3A_1034 = arith.select %le3A, %slice3A_85, %slice3A_101 : vector<8x128xi1>, vector<8x128xf32>
      %le3A_1035 = arith.cmpi sle, %select_n3A_820, %select_n3A_932 : vector<8x128xi32>
      %min3A_1036 = arith.minsi %select_n3A_820, %select_n3A_932 : vector<8x128xi32>
      %select_n3A_1037 = arith.select %le3A_1035, %slice3A_22, %slice3A_38 : vector<8x128xi1>, vector<8x128xf32>
      %select_n3A_1038 = arith.select %le3A_1035, %slice3A_54, %slice3A_70 : vector<8x128xi1>, vector<8x128xf32>
      %select_n3A_1039 = arith.select %le3A_1035, %slice3A_86, %slice3A_102 : vector<8x128xi1>, vector<8x128xf32>
      %le3A_1040 = arith.cmpi sle, %select_n3A_827, %select_n3A_939 : vector<8x128xi32>
      %min3A_1041 = arith.minsi %select_n3A_827, %select_n3A_939 : vector<8x128xi32>
      %select_n3A_1042 = arith.select %le3A_1040, %slice3A_23, %slice3A_39 : vector<8x128xi1>, vector<8x128xf32>
      %select_n3A_1043 = arith.select %le3A_1040, %slice3A_55, %slice3A_71 : vector<8x128xi1>, vector<8x128xf32>
      %select_n3A_1044 = arith.select %le3A_1040, %slice3A_87, %slice3A_103 : vector<8x128xi1>, vector<8x128xf32>
      %le3A_1045 = arith.cmpi sle, %select_n3A_834, %select_n3A_946 : vector<8x128xi32>
      %min3A_1046 = arith.minsi %select_n3A_834, %select_n3A_946 : vector<8x128xi32>
      %select_n3A_1047 = arith.select %le3A_1045, %slice3A_24, %slice3A_40 : vector<8x128xi1>, vector<8x128xf32>
      %select_n3A_1048 = arith.select %le3A_1045, %slice3A_56, %slice3A_72 : vector<8x128xi1>, vector<8x128xf32>
      %select_n3A_1049 = arith.select %le3A_1045, %slice3A_88, %slice3A_104 : vector<8x128xi1>, vector<8x128xf32>
      %le3A_1050 = arith.cmpi sle, %select_n3A_841, %select_n3A_953 : vector<8x128xi32>
      %min3A_1051 = arith.minsi %select_n3A_841, %select_n3A_953 : vector<8x128xi32>
      %select_n3A_1052 = arith.select %le3A_1050, %slice3A_25, %slice3A_41 : vector<8x128xi1>, vector<8x128xf32>
      %select_n3A_1053 = arith.select %le3A_1050, %slice3A_57, %slice3A_73 : vector<8x128xi1>, vector<8x128xf32>
      %select_n3A_1054 = arith.select %le3A_1050, %slice3A_89, %slice3A_105 : vector<8x128xi1>, vector<8x128xf32>
      %le3A_1055 = arith.cmpi sle, %select_n3A_848, %select_n3A_960 : vector<8x128xi32>
      %min3A_1056 = arith.minsi %select_n3A_848, %select_n3A_960 : vector<8x128xi32>
      %select_n3A_1057 = arith.select %le3A_1055, %slice3A_26, %slice3A_42 : vector<8x128xi1>, vector<8x128xf32>
      %select_n3A_1058 = arith.select %le3A_1055, %slice3A_58, %slice3A_74 : vector<8x128xi1>, vector<8x128xf32>
      %select_n3A_1059 = arith.select %le3A_1055, %slice3A_90, %slice3A_106 : vector<8x128xi1>, vector<8x128xf32>
      %le3A_1060 = arith.cmpi sle, %select_n3A_855, %select_n3A_967 : vector<8x128xi32>
      %min3A_1061 = arith.minsi %select_n3A_855, %select_n3A_967 : vector<8x128xi32>
      %select_n3A_1062 = arith.select %le3A_1060, %slice3A_27, %slice3A_43 : vector<8x128xi1>, vector<8x128xf32>
      %select_n3A_1063 = arith.select %le3A_1060, %slice3A_59, %slice3A_75 : vector<8x128xi1>, vector<8x128xf32>
      %select_n3A_1064 = arith.select %le3A_1060, %slice3A_91, %slice3A_107 : vector<8x128xi1>, vector<8x128xf32>
      %le3A_1065 = arith.cmpi sle, %select_n3A_862, %select_n3A_974 : vector<8x128xi32>
      %min3A_1066 = arith.minsi %select_n3A_862, %select_n3A_974 : vector<8x128xi32>
      %select_n3A_1067 = arith.select %le3A_1065, %slice3A_28, %slice3A_44 : vector<8x128xi1>, vector<8x128xf32>
      %select_n3A_1068 = arith.select %le3A_1065, %slice3A_60, %slice3A_76 : vector<8x128xi1>, vector<8x128xf32>
      %select_n3A_1069 = arith.select %le3A_1065, %slice3A_92, %slice3A_108 : vector<8x128xi1>, vector<8x128xf32>
      %le3A_1070 = arith.cmpi sle, %select_n3A_869, %select_n3A_981 : vector<8x128xi32>
      %min3A_1071 = arith.minsi %select_n3A_869, %select_n3A_981 : vector<8x128xi32>
      %select_n3A_1072 = arith.select %le3A_1070, %slice3A_29, %slice3A_45 : vector<8x128xi1>, vector<8x128xf32>
      %select_n3A_1073 = arith.select %le3A_1070, %slice3A_61, %slice3A_77 : vector<8x128xi1>, vector<8x128xf32>
      %select_n3A_1074 = arith.select %le3A_1070, %slice3A_93, %slice3A_109 : vector<8x128xi1>, vector<8x128xf32>
      %le3A_1075 = arith.cmpi sle, %select_n3A_876, %select_n3A_988 : vector<8x128xi32>
      %min3A_1076 = arith.minsi %select_n3A_876, %select_n3A_988 : vector<8x128xi32>
      %select_n3A_1077 = arith.select %le3A_1075, %slice3A_30, %slice3A_46 : vector<8x128xi1>, vector<8x128xf32>
      %select_n3A_1078 = arith.select %le3A_1075, %slice3A_62, %slice3A_78 : vector<8x128xi1>, vector<8x128xf32>
      %select_n3A_1079 = arith.select %le3A_1075, %slice3A_94, %slice3A_110 : vector<8x128xi1>, vector<8x128xf32>
      %le3A_1080 = arith.cmpi sle, %select_n3A_883, %select_n3A_995 : vector<8x128xi32>
      %min3A_1081 = arith.minsi %select_n3A_883, %select_n3A_995 : vector<8x128xi32>
      %select_n3A_1082 = arith.select %le3A_1080, %slice3A_31, %slice3A_47 : vector<8x128xi1>, vector<8x128xf32>
      %select_n3A_1083 = arith.select %le3A_1080, %slice3A_63, %slice3A_79 : vector<8x128xi1>, vector<8x128xf32>
      %select_n3A_1084 = arith.select %le3A_1080, %slice3A_95, %slice3A_111 : vector<8x128xi1>, vector<8x128xf32>
      %le3A_1085 = arith.cmpi sle, %select_n3A_890, %select_n3A_1002 : vector<8x128xi32>
      %min3A_1086 = arith.minsi %select_n3A_890, %select_n3A_1002 : vector<8x128xi32>
      %select_n3A_1087 = arith.select %le3A_1085, %slice3A_32, %slice3A_48 : vector<8x128xi1>, vector<8x128xf32>
      %select_n3A_1088 = arith.select %le3A_1085, %slice3A_64, %slice3A_80 : vector<8x128xi1>, vector<8x128xf32>
      %select_n3A_1089 = arith.select %le3A_1085, %slice3A_96, %slice3A_112 : vector<8x128xi1>, vector<8x128xf32>
      %le3A_1090 = arith.cmpi sle, %select_n3A_897, %select_n3A_1009 : vector<8x128xi32>
      %min3A_1091 = arith.minsi %select_n3A_897, %select_n3A_1009 : vector<8x128xi32>
      %select_n3A_1092 = arith.select %le3A_1090, %slice3A_33, %slice3A_49 : vector<8x128xi1>, vector<8x128xf32>
      %select_n3A_1093 = arith.select %le3A_1090, %slice3A_65, %slice3A_81 : vector<8x128xi1>, vector<8x128xf32>
      %select_n3A_1094 = arith.select %le3A_1090, %slice3A_97, %slice3A_113 : vector<8x128xi1>, vector<8x128xf32>
      %le3A_1095 = arith.cmpi sle, %select_n3A_904, %select_n3A_1016 : vector<8x128xi32>
      %min3A_1096 = arith.minsi %select_n3A_904, %select_n3A_1016 : vector<8x128xi32>
      %select_n3A_1097 = arith.select %le3A_1095, %slice3A_34, %slice3A_50 : vector<8x128xi1>, vector<8x128xf32>
      %select_n3A_1098 = arith.select %le3A_1095, %slice3A_66, %slice3A_82 : vector<8x128xi1>, vector<8x128xf32>
      %select_n3A_1099 = arith.select %le3A_1095, %slice3A_98, %slice3A_114 : vector<8x128xi1>, vector<8x128xf32>
      %le3A_1100 = arith.cmpi sle, %select_n3A_911, %select_n3A_1023 : vector<8x128xi32>
      %min3A_1101 = arith.minsi %select_n3A_911, %select_n3A_1023 : vector<8x128xi32>
      %select_n3A_1102 = arith.select %le3A_1100, %slice3A_35, %slice3A_51 : vector<8x128xi1>, vector<8x128xf32>
      %select_n3A_1103 = arith.select %le3A_1100, %slice3A_67, %slice3A_83 : vector<8x128xi1>, vector<8x128xf32>
      %select_n3A_1104 = arith.select %le3A_1100, %slice3A_99, %slice3A_115 : vector<8x128xi1>, vector<8x128xf32>
      %le3A_1105 = arith.cmpi sle, %select_n3A_918, %select_n3A_1030 : vector<8x128xi32>
      %min3A_1106 = arith.minsi %select_n3A_918, %select_n3A_1030 : vector<8x128xi32>
      %select_n3A_1107 = arith.select %le3A_1105, %slice3A_36, %slice3A_52 : vector<8x128xi1>, vector<8x128xf32>
      %select_n3A_1108 = arith.select %le3A_1105, %slice3A_68, %slice3A_84 : vector<8x128xi1>, vector<8x128xf32>
      %select_n3A_1109 = arith.select %le3A_1105, %slice3A_100, %slice3A_116 : vector<8x128xi1>, vector<8x128xf32>
      %le3A_1110 = arith.cmpi sle, %min3A_1031, %min3A_1071 : vector<8x128xi32>
      %min3A_1111 = arith.minsi %min3A_1031, %min3A_1071 : vector<8x128xi32>
      %select_n3A_1112 = arith.select %le3A_1110, %select_n3A_1032, %select_n3A_1072 : vector<8x128xi1>, vector<8x128xf32>
      %select_n3A_1113 = arith.select %le3A_1110, %select_n3A_1033, %select_n3A_1073 : vector<8x128xi1>, vector<8x128xf32>
      %select_n3A_1114 = arith.select %le3A_1110, %select_n3A_1034, %select_n3A_1074 : vector<8x128xi1>, vector<8x128xf32>
      %le3A_1115 = arith.cmpi sle, %min3A_1036, %min3A_1076 : vector<8x128xi32>
      %min3A_1116 = arith.minsi %min3A_1036, %min3A_1076 : vector<8x128xi32>
      %select_n3A_1117 = arith.select %le3A_1115, %select_n3A_1037, %select_n3A_1077 : vector<8x128xi1>, vector<8x128xf32>
      %select_n3A_1118 = arith.select %le3A_1115, %select_n3A_1038, %select_n3A_1078 : vector<8x128xi1>, vector<8x128xf32>
      %select_n3A_1119 = arith.select %le3A_1115, %select_n3A_1039, %select_n3A_1079 : vector<8x128xi1>, vector<8x128xf32>
      %le3A_1120 = arith.cmpi sle, %min3A_1041, %min3A_1081 : vector<8x128xi32>
      %min3A_1121 = arith.minsi %min3A_1041, %min3A_1081 : vector<8x128xi32>
      %select_n3A_1122 = arith.select %le3A_1120, %select_n3A_1042, %select_n3A_1082 : vector<8x128xi1>, vector<8x128xf32>
      %select_n3A_1123 = arith.select %le3A_1120, %select_n3A_1043, %select_n3A_1083 : vector<8x128xi1>, vector<8x128xf32>
      %select_n3A_1124 = arith.select %le3A_1120, %select_n3A_1044, %select_n3A_1084 : vector<8x128xi1>, vector<8x128xf32>
      %le3A_1125 = arith.cmpi sle, %min3A_1046, %min3A_1086 : vector<8x128xi32>
      %min3A_1126 = arith.minsi %min3A_1046, %min3A_1086 : vector<8x128xi32>
      %select_n3A_1127 = arith.select %le3A_1125, %select_n3A_1047, %select_n3A_1087 : vector<8x128xi1>, vector<8x128xf32>
      %select_n3A_1128 = arith.select %le3A_1125, %select_n3A_1048, %select_n3A_1088 : vector<8x128xi1>, vector<8x128xf32>
      %select_n3A_1129 = arith.select %le3A_1125, %select_n3A_1049, %select_n3A_1089 : vector<8x128xi1>, vector<8x128xf32>
      %le3A_1130 = arith.cmpi sle, %min3A_1051, %min3A_1091 : vector<8x128xi32>
      %min3A_1131 = arith.minsi %min3A_1051, %min3A_1091 : vector<8x128xi32>
      %select_n3A_1132 = arith.select %le3A_1130, %select_n3A_1052, %select_n3A_1092 : vector<8x128xi1>, vector<8x128xf32>
      %select_n3A_1133 = arith.select %le3A_1130, %select_n3A_1053, %select_n3A_1093 : vector<8x128xi1>, vector<8x128xf32>
      %select_n3A_1134 = arith.select %le3A_1130, %select_n3A_1054, %select_n3A_1094 : vector<8x128xi1>, vector<8x128xf32>
      %le3A_1135 = arith.cmpi sle, %min3A_1056, %min3A_1096 : vector<8x128xi32>
      %min3A_1136 = arith.minsi %min3A_1056, %min3A_1096 : vector<8x128xi32>
      %select_n3A_1137 = arith.select %le3A_1135, %select_n3A_1057, %select_n3A_1097 : vector<8x128xi1>, vector<8x128xf32>
      %select_n3A_1138 = arith.select %le3A_1135, %select_n3A_1058, %select_n3A_1098 : vector<8x128xi1>, vector<8x128xf32>
      %select_n3A_1139 = arith.select %le3A_1135, %select_n3A_1059, %select_n3A_1099 : vector<8x128xi1>, vector<8x128xf32>
      %le3A_1140 = arith.cmpi sle, %min3A_1061, %min3A_1101 : vector<8x128xi32>
      %min3A_1141 = arith.minsi %min3A_1061, %min3A_1101 : vector<8x128xi32>
      %select_n3A_1142 = arith.select %le3A_1140, %select_n3A_1062, %select_n3A_1102 : vector<8x128xi1>, vector<8x128xf32>
      %select_n3A_1143 = arith.select %le3A_1140, %select_n3A_1063, %select_n3A_1103 : vector<8x128xi1>, vector<8x128xf32>
      %select_n3A_1144 = arith.select %le3A_1140, %select_n3A_1064, %select_n3A_1104 : vector<8x128xi1>, vector<8x128xf32>
      %le3A_1145 = arith.cmpi sle, %min3A_1066, %min3A_1106 : vector<8x128xi32>
      %min3A_1146 = arith.minsi %min3A_1066, %min3A_1106 : vector<8x128xi32>
      %select_n3A_1147 = arith.select %le3A_1145, %select_n3A_1067, %select_n3A_1107 : vector<8x128xi1>, vector<8x128xf32>
      %select_n3A_1148 = arith.select %le3A_1145, %select_n3A_1068, %select_n3A_1108 : vector<8x128xi1>, vector<8x128xf32>
      %select_n3A_1149 = arith.select %le3A_1145, %select_n3A_1069, %select_n3A_1109 : vector<8x128xi1>, vector<8x128xf32>
      %le3A_1150 = arith.cmpi sle, %min3A_1111, %min3A_1131 : vector<8x128xi32>
      %min3A_1151 = arith.minsi %min3A_1111, %min3A_1131 : vector<8x128xi32>
      %select_n3A_1152 = arith.select %le3A_1150, %select_n3A_1112, %select_n3A_1132 : vector<8x128xi1>, vector<8x128xf32>
      %select_n3A_1153 = arith.select %le3A_1150, %select_n3A_1113, %select_n3A_1133 : vector<8x128xi1>, vector<8x128xf32>
      %select_n3A_1154 = arith.select %le3A_1150, %select_n3A_1114, %select_n3A_1134 : vector<8x128xi1>, vector<8x128xf32>
      %le3A_1155 = arith.cmpi sle, %min3A_1116, %min3A_1136 : vector<8x128xi32>
      %min3A_1156 = arith.minsi %min3A_1116, %min3A_1136 : vector<8x128xi32>
      %select_n3A_1157 = arith.select %le3A_1155, %select_n3A_1117, %select_n3A_1137 : vector<8x128xi1>, vector<8x128xf32>
      %select_n3A_1158 = arith.select %le3A_1155, %select_n3A_1118, %select_n3A_1138 : vector<8x128xi1>, vector<8x128xf32>
      %select_n3A_1159 = arith.select %le3A_1155, %select_n3A_1119, %select_n3A_1139 : vector<8x128xi1>, vector<8x128xf32>
      %le3A_1160 = arith.cmpi sle, %min3A_1121, %min3A_1141 : vector<8x128xi32>
      %min3A_1161 = arith.minsi %min3A_1121, %min3A_1141 : vector<8x128xi32>
      %select_n3A_1162 = arith.select %le3A_1160, %select_n3A_1122, %select_n3A_1142 : vector<8x128xi1>, vector<8x128xf32>
      %select_n3A_1163 = arith.select %le3A_1160, %select_n3A_1123, %select_n3A_1143 : vector<8x128xi1>, vector<8x128xf32>
      %select_n3A_1164 = arith.select %le3A_1160, %select_n3A_1124, %select_n3A_1144 : vector<8x128xi1>, vector<8x128xf32>
      %le3A_1165 = arith.cmpi sle, %min3A_1126, %min3A_1146 : vector<8x128xi32>
      %min3A_1166 = arith.minsi %min3A_1126, %min3A_1146 : vector<8x128xi32>
      %select_n3A_1167 = arith.select %le3A_1165, %select_n3A_1127, %select_n3A_1147 : vector<8x128xi1>, vector<8x128xf32>
      %select_n3A_1168 = arith.select %le3A_1165, %select_n3A_1128, %select_n3A_1148 : vector<8x128xi1>, vector<8x128xf32>
      %select_n3A_1169 = arith.select %le3A_1165, %select_n3A_1129, %select_n3A_1149 : vector<8x128xi1>, vector<8x128xf32>
      %le3A_1170 = arith.cmpi sle, %min3A_1151, %min3A_1161 : vector<8x128xi32>
      %min3A_1171 = arith.minsi %min3A_1151, %min3A_1161 : vector<8x128xi32>
      %select_n3A_1172 = arith.select %le3A_1170, %select_n3A_1152, %select_n3A_1162 : vector<8x128xi1>, vector<8x128xf32>
      %select_n3A_1173 = arith.select %le3A_1170, %select_n3A_1153, %select_n3A_1163 : vector<8x128xi1>, vector<8x128xf32>
      %select_n3A_1174 = arith.select %le3A_1170, %select_n3A_1154, %select_n3A_1164 : vector<8x128xi1>, vector<8x128xf32>
      %le3A_1175 = arith.cmpi sle, %min3A_1156, %min3A_1166 : vector<8x128xi32>
      %min3A_1176 = arith.minsi %min3A_1156, %min3A_1166 : vector<8x128xi32>
      %select_n3A_1177 = arith.select %le3A_1175, %select_n3A_1157, %select_n3A_1167 : vector<8x128xi1>, vector<8x128xf32>
      %select_n3A_1178 = arith.select %le3A_1175, %select_n3A_1158, %select_n3A_1168 : vector<8x128xi1>, vector<8x128xf32>
      %select_n3A_1179 = arith.select %le3A_1175, %select_n3A_1159, %select_n3A_1169 : vector<8x128xi1>, vector<8x128xf32>
      %le3A_1180 = arith.cmpi sle, %min3A_1171, %min3A_1176 : vector<8x128xi32>
      %min3A_1181 = arith.minsi %min3A_1171, %min3A_1176 : vector<8x128xi32>
      %select_n3A_1182 = arith.select %le3A_1180, %select_n3A_1172, %select_n3A_1177 : vector<8x128xi1>, vector<8x128xf32>
      %select_n3A_1183 = arith.select %le3A_1180, %select_n3A_1173, %select_n3A_1178 : vector<8x128xi1>, vector<8x128xf32>
      %select_n3A_1184 = arith.select %le3A_1180, %select_n3A_1174, %select_n3A_1179 : vector<8x128xi1>, vector<8x128xf32>
      %shift_left3A = arith.constant 16 : i32
      %shift_left3A_1185 = vector.broadcast %shift_left3A : i32 to vector<8x128xi32>
      %shift_left3A_1186 = arith.shli %min3A_1181, %shift_left3A_1185 : vector<8x128xi32>
      %bitcast_convert_type3A = tpu.bitcast %select_n3A_1182 : vector<8x128xf32> -> vector<8x128xi32>
      %bitcast_convert_type3A_1187 = tpu.bitcast %select_n3A_1183 : vector<8x128xf32> -> vector<8x128xi32>
      %bitcast_convert_type3A_1188 = tpu.bitcast %select_n3A_1184 : vector<8x128xf32> -> vector<8x128xi32>
      %shift_right_logical3A = arith.constant 16 : i32
      %shift_right_logical3A_1189 = vector.broadcast %shift_right_logical3A : i32 to vector<8x128xi32>
      %shift_right_logical3A_1190 = arith.shrui %bitcast_convert_type3A, %shift_right_logical3A_1189 : vector<8x128xi32>
      %or3A = arith.ori %shift_left3A_1186, %shift_right_logical3A_1190 : vector<8x128xi32>
      %and3A = arith.constant 65535 : i32
      %and3A_1191 = vector.broadcast %and3A : i32 to vector<8x128xi32>
      %and3A_1192 = arith.andi %bitcast_convert_type3A, %and3A_1191 : vector<8x128xi32>
      %or3A_1193 = arith.ori %shift_left3A_1186, %and3A_1192 : vector<8x128xi32>
      %shift_right_logical3A_1194 = arith.constant 16 : i32
      %shift_right_logical3A_1195 = vector.broadcast %shift_right_logical3A_1194 : i32 to vector<8x128xi32>
      %shift_right_logical3A_1196 = arith.shrui %bitcast_convert_type3A_1187, %shift_right_logical3A_1195 : vector<8x128xi32>
      %or3A_1197 = arith.ori %shift_left3A_1186, %shift_right_logical3A_1196 : vector<8x128xi32>
      %and3A_1198 = arith.constant 65535 : i32
      %and3A_1199 = vector.broadcast %and3A_1198 : i32 to vector<8x128xi32>
      %and3A_1200 = arith.andi %bitcast_convert_type3A_1187, %and3A_1199 : vector<8x128xi32>
      %or3A_1201 = arith.ori %shift_left3A_1186, %and3A_1200 : vector<8x128xi32>
      %shift_right_logical3A_1202 = arith.constant 16 : i32
      %shift_right_logical3A_1203 = vector.broadcast %shift_right_logical3A_1202 : i32 to vector<8x128xi32>
      %shift_right_logical3A_1204 = arith.shrui %bitcast_convert_type3A_1188, %shift_right_logical3A_1203 : vector<8x128xi32>
      %or3A_1205 = arith.ori %shift_left3A_1186, %shift_right_logical3A_1204 : vector<8x128xi32>
      %and3A_1206 = arith.constant 65535 : i32
      %and3A_1207 = vector.broadcast %and3A_1206 : i32 to vector<8x128xi32>
      %and3A_1208 = arith.andi %bitcast_convert_type3A_1188, %and3A_1207 : vector<8x128xi32>
      %or3A_1209 = arith.ori %shift_left3A_1186, %and3A_1208 : vector<8x128xi32>
      %bitcast_convert_type3A_1210 = tpu.bitcast %or3A : vector<8x128xi32> -> vector<8x128xi32>
      %reduce_min3A_1211 = arith.constant dense<2147483647> : vector<8xi32>
      %reduce_min3A_1212 = vector.multi_reduction <minsi>, %bitcast_convert_type3A_1210, %reduce_min3A_1211 [1] : vector<8x128xi32> to vector<8xi32>
      %broadcast_in_dim3A_1213 = vector.shape_cast %reduce_min3A_1212 : vector<8xi32> to vector<8x1xi32>
      %bitcast_convert_type3A_1214 = tpu.bitcast %broadcast_in_dim3A_1213 : vector<8x1xi32> -> vector<8x1xi32>
      %bitcast_convert_type3A_1215 = tpu.bitcast %or3A_1193 : vector<8x128xi32> -> vector<8x128xi32>
      %reduce_min3A_1216 = arith.constant dense<2147483647> : vector<8xi32>
      %reduce_min3A_1217 = vector.multi_reduction <minsi>, %bitcast_convert_type3A_1215, %reduce_min3A_1216 [1] : vector<8x128xi32> to vector<8xi32>
      %broadcast_in_dim3A_1218 = vector.shape_cast %reduce_min3A_1217 : vector<8xi32> to vector<8x1xi32>
      %bitcast_convert_type3A_1219 = tpu.bitcast %broadcast_in_dim3A_1218 : vector<8x1xi32> -> vector<8x1xi32>
      %bitcast_convert_type3A_1220 = tpu.bitcast %or3A_1197 : vector<8x128xi32> -> vector<8x128xi32>
      %reduce_min3A_1221 = arith.constant dense<2147483647> : vector<8xi32>
      %reduce_min3A_1222 = vector.multi_reduction <minsi>, %bitcast_convert_type3A_1220, %reduce_min3A_1221 [1] : vector<8x128xi32> to vector<8xi32>
      %broadcast_in_dim3A_1223 = vector.shape_cast %reduce_min3A_1222 : vector<8xi32> to vector<8x1xi32>
      %bitcast_convert_type3A_1224 = tpu.bitcast %broadcast_in_dim3A_1223 : vector<8x1xi32> -> vector<8x1xi32>
      %bitcast_convert_type3A_1225 = tpu.bitcast %or3A_1201 : vector<8x128xi32> -> vector<8x128xi32>
      %reduce_min3A_1226 = arith.constant dense<2147483647> : vector<8xi32>
      %reduce_min3A_1227 = vector.multi_reduction <minsi>, %bitcast_convert_type3A_1225, %reduce_min3A_1226 [1] : vector<8x128xi32> to vector<8xi32>
      %broadcast_in_dim3A_1228 = vector.shape_cast %reduce_min3A_1227 : vector<8xi32> to vector<8x1xi32>
      %bitcast_convert_type3A_1229 = tpu.bitcast %broadcast_in_dim3A_1228 : vector<8x1xi32> -> vector<8x1xi32>
      %bitcast_convert_type3A_1230 = tpu.bitcast %or3A_1205 : vector<8x128xi32> -> vector<8x128xi32>
      %reduce_min3A_1231 = arith.constant dense<2147483647> : vector<8xi32>
      %reduce_min3A_1232 = vector.multi_reduction <minsi>, %bitcast_convert_type3A_1230, %reduce_min3A_1231 [1] : vector<8x128xi32> to vector<8xi32>
      %broadcast_in_dim3A_1233 = vector.shape_cast %reduce_min3A_1232 : vector<8xi32> to vector<8x1xi32>
      %bitcast_convert_type3A_1234 = tpu.bitcast %broadcast_in_dim3A_1233 : vector<8x1xi32> -> vector<8x1xi32>
      %bitcast_convert_type3A_1235 = tpu.bitcast %or3A_1209 : vector<8x128xi32> -> vector<8x128xi32>
      %reduce_min3A_1236 = arith.constant dense<2147483647> : vector<8xi32>
      %reduce_min3A_1237 = vector.multi_reduction <minsi>, %bitcast_convert_type3A_1235, %reduce_min3A_1236 [1] : vector<8x128xi32> to vector<8xi32>
      %broadcast_in_dim3A_1238 = vector.shape_cast %reduce_min3A_1237 : vector<8xi32> to vector<8x1xi32>
      %bitcast_convert_type3A_1239 = tpu.bitcast %broadcast_in_dim3A_1238 : vector<8x1xi32> -> vector<8x1xi32>
      %shift_right_logical3A_1240 = arith.constant 16 : i32
      %shift_right_logical3A_1241 = vector.broadcast %shift_right_logical3A_1240 : i32 to vector<8x1xi32>
      %shift_right_logical3A_1242 = arith.shrui %bitcast_convert_type3A_1214, %shift_right_logical3A_1241 : vector<8x1xi32>
      %and3A_1243 = arith.constant 65535 : i32
      %and3A_1244 = vector.broadcast %and3A_1243 : i32 to vector<8x1xi32>
      %and3A_1245 = arith.andi %bitcast_convert_type3A_1214, %and3A_1244 : vector<8x1xi32>
      %shift_left3A_1246 = arith.constant 16 : i32
      %shift_left3A_1247 = vector.broadcast %shift_left3A_1246 : i32 to vector<8x1xi32>
      %shift_left3A_1248 = arith.shli %and3A_1245, %shift_left3A_1247 : vector<8x1xi32>
      %and3A_1249 = arith.constant 65535 : i32
      %and3A_1250 = vector.broadcast %and3A_1249 : i32 to vector<8x1xi32>
      %and3A_1251 = arith.andi %bitcast_convert_type3A_1219, %and3A_1250 : vector<8x1xi32>
      %or3A_1252 = arith.ori %shift_left3A_1248, %and3A_1251 : vector<8x1xi32>
      %bitcast_convert_type3A_1253 = tpu.bitcast %or3A_1252 : vector<8x1xi32> -> vector<8x1xf32>
      %and3A_1254 = arith.constant 65535 : i32
      %and3A_1255 = vector.broadcast %and3A_1254 : i32 to vector<8x1xi32>
      %and3A_1256 = arith.andi %bitcast_convert_type3A_1224, %and3A_1255 : vector<8x1xi32>
      %shift_left3A_1257 = arith.constant 16 : i32
      %shift_left3A_1258 = vector.broadcast %shift_left3A_1257 : i32 to vector<8x1xi32>
      %shift_left3A_1259 = arith.shli %and3A_1256, %shift_left3A_1258 : vector<8x1xi32>
      %and3A_1260 = arith.constant 65535 : i32
      %and3A_1261 = vector.broadcast %and3A_1260 : i32 to vector<8x1xi32>
      %and3A_1262 = arith.andi %bitcast_convert_type3A_1229, %and3A_1261 : vector<8x1xi32>
      %or3A_1263 = arith.ori %shift_left3A_1259, %and3A_1262 : vector<8x1xi32>
      %bitcast_convert_type3A_1264 = tpu.bitcast %or3A_1263 : vector<8x1xi32> -> vector<8x1xf32>
      %and3A_1265 = arith.constant 65535 : i32
      %and3A_1266 = vector.broadcast %and3A_1265 : i32 to vector<8x1xi32>
      %and3A_1267 = arith.andi %bitcast_convert_type3A_1234, %and3A_1266 : vector<8x1xi32>
      %shift_left3A_1268 = arith.constant 16 : i32
      %shift_left3A_1269 = vector.broadcast %shift_left3A_1268 : i32 to vector<8x1xi32>
      %shift_left3A_1270 = arith.shli %and3A_1267, %shift_left3A_1269 : vector<8x1xi32>
      %and3A_1271 = arith.constant 65535 : i32
      %and3A_1272 = vector.broadcast %and3A_1271 : i32 to vector<8x1xi32>
      %and3A_1273 = arith.andi %bitcast_convert_type3A_1239, %and3A_1272 : vector<8x1xi32>
      %or3A_1274 = arith.ori %shift_left3A_1270, %and3A_1273 : vector<8x1xi32>
      %bitcast_convert_type3A_1275 = tpu.bitcast %or3A_1274 : vector<8x1xi32> -> vector<8x1xf32>
      %broadcast_in_dim3A_1276 = vector.shape_cast %bitcast_convert_type3A_1253 : vector<8x1xf32> to vector<8x1xf32>
      %broadcast_in_dim3A_1277 = vector.broadcast %broadcast_in_dim3A_1276 : vector<8x1xf32> to vector<8x128xf32>
      %broadcast_in_dim3A_1278 = vector.shape_cast %bitcast_convert_type3A_1264 : vector<8x1xf32> to vector<8x1xf32>
      %broadcast_in_dim3A_1279 = vector.broadcast %broadcast_in_dim3A_1278 : vector<8x1xf32> to vector<8x128xf32>
      %broadcast_in_dim3A_1280 = vector.shape_cast %bitcast_convert_type3A_1275 : vector<8x1xf32> to vector<8x1xf32>
      %broadcast_in_dim3A_1281 = vector.broadcast %broadcast_in_dim3A_1280 : vector<8x1xf32> to vector<8x128xf32>
      %rem3A = arith.constant 128 : i32
      %rem3A_1282 = arith.remsi %scan3A_133, %rem3A : i32
      %eq3A_1283 = vector.broadcast %rem3A_1282 : i32 to vector<8x128xi32>
      %eq3A_1284 = arith.cmpi eq, %iota3A, %eq3A_1283 : vector<8x128xi32>
      %add3A_1285 = arith.addi %shift_right_logical3A_1242, %mul3A_13 : vector<8x1xi32>
      %broadcast_in_dim3A_1286 = vector.shape_cast %add3A_1285 : vector<8x1xi32> to vector<8x1xi32>
      %broadcast_in_dim3A_1287 = vector.broadcast %broadcast_in_dim3A_1286 : vector<8x1xi32> to vector<8x128xi32>
      %select_n3A_1288 = arith.select %eq3A_1284, %broadcast_in_dim3A_1287, %scan3A_137 : vector<8x128xi1>, vector<8x128xi32>
      %eq3A_1289 = arith.constant 127 : i32
      %eq3A_1290 = arith.cmpi eq, %rem3A_1282, %eq3A_1289 : i32
      %convert_element_type3A = arith.extui %eq3A_1290 : i1 to i32
      %cond3A = arith.constant 0 : i32
      %cond3A_1291 = arith.cmpi ne, %convert_element_type3A, %cond3A : i32
      scf.if %cond3A_1291 {
        %sub3A_1292 = arith.constant 127 : i32
        %sub3A_1293 = arith.subi %scan3A_133, %sub3A_1292 : i32
        %multiple_of3A = tpu.assume_multiple %sub3A_1293, 128 : i32
        %swap3A_1294 = arith.constant 0 : index
        %swap3A_1295 = arith.index_cast %multiple_of3A : i32 to index
        %swap3A_1296 = vector.load %arg4[%swap3A_1294, %swap3A_1295] : memref<8x2048xi32, #tpu.memory_space<vmem>>, vector<8x128xi32>
        tpu.vector_store %arg4[%swap3A_1294, %swap3A_1295], %select_n3A_1288 {strides = array<i32>} : memref<8x2048xi32, #tpu.memory_space<vmem>>, vector<8x128xi32>,
      } else {
      }
      scf.yield %broadcast_in_dim3A_1277, %broadcast_in_dim3A_1279, %broadcast_in_dim3A_1281, %select_n3A_1288 : vector<8x128xf32>, vector<8x128xf32>, vector<8x128xf32>, vector<8x128xi32>
    }
    %scan3A_132 = arith.constant 2047 : i32
    return
  }
}

</mosaic_0001>

<sc_bundles>
// kernel: kernel.4.cloned.1.call-start
scs
__scs_entry_jumppad:
0x0: {  	(pc) =	sbr.rel $0x88, $3  }
0x1: {  	(tag) =	ssettag $0x0;
	lr =	simm.s32 $0x1  }
0x2: {  	[smem:$0x3F9D] =	sst lr;
	_ =	strace $0xD0000000  }
0x3: {  	_ = 	snop  }
0x4: {  	_ = 	snop  }
0x5: {  	_ = 	snop  }
0x6: {  	_ = 	snop  }
0x7: {  	_ = 	snop  }
__scs_overlays_trampoline_lowered:
0x8: {  	[smem:$0x3FAC] =	sst s0  }
0x9: {  	[smem:$0x3FAD] =	sst s1  }
0xa: {  	[smem:$0x3FAE] =	sst s2  }
0xb: {  	[smem:$0x3FAF] =	sst s3  }
0xc: {  	[smem:$0x3FB0] =	sst s4  }
0xd: {  	[smem:$0x3FB1] =	sst s5  }
0xe: {  	[smem:$0x3FB2] =	sst s6  }
0xf: {  	[smem:$0x3FB3] =	sst s7  }
0x10: {  	[smem:$0x3FB4] =	sst s8  }
0x11: {  	[smem:$0x3FB5] =	sst s9;
	s0 =	simm.s32 @!p0 $0x0  }
0x12: {  	s1 =	sld [smem:$0x3F9B];
	s0 =	simm.s32 @p0 $0x1  }
0x13: {  	[smem:$0x3FB6] =	sst s0;
	s0 =	simm.s32 @!p1 $0x0  }
0x14: {  	s2 =	sld [smem:$0x3F9A];
	s0 =	simm.s32 @p1 $0x1  }
0x15: {  	[smem:$0x3FB7] =	sst s0;
	s0 =	simm.s32 @!p2 $0x0  }
0x16: {  	s3 =	sld [smem:$0x3FDB];
	s0 =	simm.s32 @p2 $0x1  }
0x17: {  	s4 =	simm.s32 $0x1BF5;
	[smem:$0x3FB9] =	sst s0  }
0x18: {  	s0 =	sld [smem:$0x3F9C];
	_ =	swait.ge [sflag:s4], $0x0  }
0x19: {  	s7 =	sld [smem:$0x3F9D]  }
0x1a: {  	s8 =	sadd.s32 $0xFFFFE003, lr  }
0x1b: {  	s9 =	sadd.s32 $0xFFFFFEF7, lr;
	s5 =	simm.s32 $0xFFFFFFFF;
	p2 =	slt.u32 s8, $0xFFFFF086  }
0x1c: {  	p1 =	slt.u32 s9, $0xF7A;
	s5 =	simm.s32 @!p2 $0x0  }
0x1d: {  	s5 =	simm.s32 @p1 $0x1;
	p0 =	seq.s32 s7, s2  }
0x1e: {  	s7 =	smul.u32 @!p0 $0xF7A, s2;
	p2 =	seq.s32 @!p0 s5, $0x0  }
0x1f: {  	s9 =	smul.u32 $0xF7A, s1;
	s8 =	simm.s32 @!p0 $0x1BF5;
	p2 =	por !p2, p0  }
0x20: {  	[sflag:s8] =	ssyncset.s32 @!p0 $0xFFFFF086;
	s6 =	sadd.s32 @!p0 s3, s7;
	s7 =	simm.s32 @!p0 $0x108  }
0x21: {  	s3 =	sadd.s32 s3, s9;
	s6 =	sadd.s32 @!p0 $0x88, s6;
	s7 =	simm.s32 @p2 $0x1082  }
0x22: {  	[simem:s7], [sflag:s8] =	dma.local @!p0 [hbm:s6], $0xF7A  }
0x23: {  	s9 =	sor.u32 $0xD0000000, s2;
	s6 =	simm.s32 $0x108;
	_ =	swait.ge @!p0 [sflag:s8], $0x0  }
0x24: {  	s3 =	sadd.s32 $0x88, s3;
	s6 =	simm.s32 @!p1 $0x1082;
	[sflag:s4] =	ssyncset.s32 $0xFFFFF086  }
0x25: {  	[simem:s6], [sflag:s4] =	dma.local [hbm:s3], $0xF7A  }
0x26: {  	[smem:$0x3F9D] =	sst s1;
	(tag) =	ssettag s2;
	_ =	strace s9  }
0x27: {  	s1 =	sld [smem:$0x3FAD]  }
0x28: {  	s2 =	sld [smem:$0x3FAE]  }
0x29: {  	s4 =	sld [smem:$0x3FB0]  }
0x2a: {  	p0 =	seq.s32 s5, $0x0;
	s5 =	sld [smem:$0x3FB1]  }
0x2b: {  	s6 =	sld [smem:$0x3FB2]  }
0x2c: {  	s7 =	sld [smem:$0x3FB3]  }
0x2d: {  	s3 =	simm.s32 $0x108;
	s8 =	sld [smem:$0x3FB4]  }
0x2e: {  	s3 =	simm.s32 @!p0 $0x1082;
	s9 =	sld [smem:$0x3FB5]  }
0x2f: {  	lr =	sadd.s32 s0, s3;
	s0 =	sld [smem:$0x3FAC]  }
0x30: {  	s3 =	sld [smem:$0x3FAF]  }
0x31: {  	[smem:$0x3FB8] =	sst s10  }
0x32: {  	s10 =	sld [smem:$0x3FB6];
	_ =	sdelay $0x3  }
0x33: {  	p0 =	seq.s32 s10, $0x1;
	s10 =	sld [smem:$0x3FB8];
	_ =	sdelay $0x3  }
0x34: {  	[smem:$0x3FB8] =	sst s10  }
0x35: {  	s10 =	sld [smem:$0x3FB7];
	_ =	sdelay $0x3  }
0x36: {  	p1 =	seq.s32 s10, $0x1;
	s10 =	sld [smem:$0x3FB8];
	_ =	sdelay $0x3  }
0x37: {  	[smem:$0x3FB8] =	sst s10  }
0x38: {  	s10 =	sld [smem:$0x3FB9]  }
0x39: {  	_ = 	snop;
	(pc) =	sbr.ind lr, $3  }
0x3a: {  	_ = 	snop  }
0x3b: {  	_ = 	snop  }
0x3c: {  	p2 =	seq.s32 s10, $0x1;
	s10 =	sld [smem:$0x3FB8]  }
0x3d: {  	_ =	shalt  }
0x3e: {  	_ =	shalt  }
0x3f: {  	_ =	shalt  }
0x40: {  	_ =	shalt  }
0x41: {  	_ =	shalt  }
0x42: {  	_ =	shalt  }
0x43: {  	_ =	shalt  }
0x44: {  	_ =	shalt  }
0x45: {  	_ =	shalt  }
0x46: {  	_ =	shalt  }
0x47: {  	_ =	shalt  }
0x48: {  	_ =	shalt  }
0x49: {  	_ =	shalt  }
0x4a: {  	_ =	shalt  }
0x4b: {  	_ =	shalt  }
0x4c: {  	_ =	shalt  }
0x4d: {  	_ =	shalt  }
0x4e: {  	_ =	shalt  }
0x4f: {  	_ =	shalt  }
0x50: {  	_ =	shalt  }
0x51: {  	_ =	shalt  }
0x52: {  	_ =	shalt  }
0x53: {  	_ =	shalt  }
0x54: {  	_ =	shalt  }
0x55: {  	_ =	shalt  }
0x56: {  	_ =	shalt  }
0x57: {  	_ =	shalt  }
0x58: {  	_ =	shalt  }
0x59: {  	_ =	shalt  }
0x5a: {  	_ =	shalt  }
0x5b: {  	_ =	shalt  }
0x5c: {  	_ =	shalt  }
0x5d: {  	_ =	shalt  }
0x5e: {  	_ =	shalt  }
0x5f: {  	_ =	shalt  }
0x60: {  	_ =	shalt  }
0x61: {  	_ =	shalt  }
0x62: {  	_ =	shalt  }
0x63: {  	_ =	shalt  }
0x64: {  	_ =	shalt  }
0x65: {  	_ =	shalt  }
0x66: {  	_ =	shalt  }
0x67: {  	_ =	shalt  }
0x68: {  	_ =	shalt  }
0x69: {  	_ =	shalt  }
0x6a: {  	_ =	shalt  }
0x6b: {  	_ =	shalt  }
0x6c: {  	_ =	shalt  }
0x6d: {  	_ =	shalt  }
0x6e: {  	_ =	shalt  }
0x6f: {  	_ =	shalt  }
0x70: {  	_ =	shalt  }
0x71: {  	_ =	shalt  }
0x72: {  	_ =	shalt  }
0x73: {  	_ =	shalt  }
0x74: {  	_ =	shalt  }
0x75: {  	_ =	shalt  }
0x76: {  	_ =	shalt  }
0x77: {  	_ =	shalt  }
0x78: {  	_ =	shalt  }
0x79: {  	_ =	shalt  }
0x7a: {  	_ =	shalt  }
0x7b: {  	_ =	shalt  }
0x7c: {  	_ =	shalt  }
0x7d: {  	_ =	shalt  }
0x7e: {  	_ =	shalt  }
0x7f: {  	_ =	shalt  }
0x80: {  	_ =	shalt  }
0x81: {  	_ =	shalt  }
0x82: {  	_ =	shalt  }
0x83: {  	_ =	shalt  }
0x84: {  	_ =	shalt  }
0x85: {  	_ =	shalt  }
0x86: {  	_ =	shalt  }
0x87: {  	_ =	shalt  }
.Lfunc_end0:
.L_simem_size_0:
called_computation_lowered:
.L_overlay_start_0:
0x88: {  	s2 =	sld [smem:$0x3FD9]  }
0x89: {  	s3 =	sld [smem:$0x3FFE];
	_ =	sdelay $0x1  }
0x8a: {  	s1 =	srdreg.scid  }
0x8b: {  	s0 =	sand.u32 $0x1, s1  }
0x8c: {  	s17 =	sshll.u32 s0, $0xA;
	s2 =	sadd.s32 s3, s2  }
0x8d: {  	s2 =	sadd.s32 s2, s17  }
0x8e: {  	[smem:$0x3FC4] =	sst s2  }
0x8f: {  	_ = 	snop  }
0x90: {  	s2 =	sld [smem:$0x3FD0];
	(tm) =	ssettm $0x1  }
0x91: {  	s18 =	sld [smem:$0x3FFB];
	_ =	sdelay $0x3  }
0x92: {  	_ =	strace s18  }
0x93: {  	s3 =	sld [smem:$0x3FFC];
	_ =	sdelay $0x3  }
0x94: {  	_ =	strace s3  }
0x95: {  	s3 =	sld [smem:$0x3FFD];
	_ =	sdelay $0x3  }
0x96: {  	_ =	strace s3  }
0x97: {  	_ =	strace $0x8FFFFFFF  }
0x98: {  	s19 =	sld [smem:$0x3FDB];
	_ =	sdelay $0x1  }
0x99: {  	s4 =	simm.s32 $_scs_section_size  }
0x9a: {  	s5 =	simm.s32 $_size__tile_overlayer_lowered;
	s6 =	simm.s32 $_tile_overlayer_lowered  }
0x9b: {  	s22 =	simm.s32 $0x1BFF;
	s21 =	sshll.u32 s6, $0x1;
	s3 =	sadd.s32 s4, s19  }
0x9c: {  	s7 =	simm.s32 $0x0;
	s20 =	sshll.u32 s5, $0x1;
	s5 =	sadd.s32 s21, s3  }
0x9d: {  	[timem:s7], [sflag:s22] =	dma.local [hbm:s5], s20  }
0x9e: {  	_ =	swait.ge [sflag:s22], s20  }
0x9f: {  	s4 =	ssub.s32 $0x0, s20;
	[sflag:s22] =	ssyncset.done $0x0  }
0xa0: {  	[sflag:s22] =	ssyncadd.s32 s4;
	_ =	sdelay $0x1  }
0xa1: {  	s23 =	simm.s32 $0x1B8B  }
0xa2: {  	_ =	swait.ge [sflag:s23], $0x1  }
0xa3: {  	[sflag:s23] =	ssyncset.done $0x0  }
0xa4: {  	s25 =	simm.s32 $0x1B8E;
	s24 =	sld [smem:$0x3FFE];
	[sflag:s23] =	ssyncadd.s32 $0xFFFFFFFF  }
0xa5: {  	s26 =	simm.s32 $execute0_lowered;
	[smem:$0x3FD2] =	sst s25  }
0xa6: {  	s5 =	sshll.u32 s26, $0x1;
	_ =	strace $0x80000046;
	[dreg:$0x1] =	wrdreg $0xFFFFFFFF  }
0xa7: {  	s28 =	simm.s32 $_size_execute0_lowered;
	s3 =	sadd.s32 s3, s5;
	[dreg:$0x0] =	wrdreg $0x0  }
0xa8: {  	s5 =	sshll.u32 s28, $0x1;
	[dreg:$0x2] =	wrdreg s3  }
0xa9: {  	[dreg:$0x3] =	wrdreg s5  }
0xaa: {  	[dreg:$0x4] =	wrdreg $0xC0  }
0xab: {  	_ =	task [dreg:s7], $0x5FFFF  }
0xac: {  	[dreg:$0x1] =	wrdreg $0xFFFFFFFF  }
0xad: {  	[dreg:$0x0] =	wrdreg $0x60  }
0xae: {  	[dreg:$0x2] =	wrdreg s24  }
0xaf: {  	[dreg:$0x3] =	wrdreg s2  }
0xb0: {  	[dreg:$0x4] =	wrdreg $0x9  }
0xb1: {  	_ =	task.clear_ibuf [dreg:s7], $0x5FFFF;
	_ =	strace $0x90000046  }
0xb2: {  	s29 =	simm.s32 $0x9;
	_ =	strace $0x80000048  }
0xb3: {  	_ =	swait.ge [sflag:s29], $0x1  }
0xb4: {  	[sflag:s29] =	ssyncadd.s32 $0xFFFFFFFF  }
0xb5: {  	_ =	strace $0x90000048  }
0xb6: {  	_ =	sfence  }
0xb7: {  	s30 =	sld [smem:$0x0];
	_ =	sdelay $0x2  }
0xb8: {  	s31 =	sshll.u32 s1, $0xD;
	s1 =	sshrl.u32 s1, $0x2  }
0xb9: {  	s3 =	sand.u32 $0x4000, s31;
	s1 =	sadd.s32 s1, s30  }
0xba: {  	s0 =	sor.u32 s3, s0;
	s1 =	sshll.u32 s1, $0x11  }
0xbb: {  	s0 =	sor.u32 s1, s0  }
0xbc: {  	s0 =	sadd.s32 $0x8F2B, s0  }
0xbd: {  	[sflag:s0] =	ssyncadd.remote.s32 $0x1  }
0xbe: {  	_ =	sfence.sel $0xFFFF  }
0xbf: {  	[dreg:$0x0] =	wrdreg $0xFFFFFFFF;
	(pc) =	sbr.abs _section_cstart, $3  }
0xc0: {  	[dreg:$0x1] =	wrdreg $0xFFFFFFFF  }
0xc1: {  	_ =	task.clear_ibuf [dreg:s7], $0x2FFFF;
	_ =	strace $0x9FFFFFFF  }
0xc2: {  	(tm) =	ssettm $0x7FFFFFFF  }
0xc3: {  	_ =	shalt  }
tec
execute0_lowered:
.L_overlay_start_1:
0x0: {  	(tag) =	ssettag $0x1  }
0x1: {  	s14 =	rddreg [dreg:$0x0]  }
0x2: {  	s1 =	srdreg.scid;
	s0 =	stileid.u32  }
0x3: {  	s3 =	rddreg [dreg:$0x1];
	s15 =	sand.u32 $0x1, s1;
	s4 =	sshll.u32 s0, $0x1  }
0x4: {  	s2 =	simm.s32 $0x0;
	s1 =	rddreg [dreg:$0x2];
	s16 =	sor.u32 s15, s4  }
0x5: {  	[smem:$0x7FF] =	sst s2;
	s4 =	sshll.u32 s16, $0x6  }
0x6: {  	_ =	strace $0x80000047;
	s4 =	sadd.s32 s3, s4;
	s3 =	simm.s32 $0x2  }
0x7: {  	[tilespmem:s2], [sflag:$0x2] =	stream.linear.gather [hbm4b:s4+s2], $0x200, $0x38;
	[tilespmem:$0x5200] =	vst v63  }
0x8: {  	_ =	swait.ge [sflag:s3], $0x200  }
0x9: {  	s6 =	simm.s32 $0x80;
	[sflag:s3] =	ssyncset.done $0x0  }
0xa: {  	s7 =	simm.s32 $0x200;
	s5 =	sadd.s32 $0xE00, s14;
	[sflag:s3] =	ssyncadd.s32 $0xFFFFFE00  }
0xb: {  	[tilespmem:s7], [sflag:$0x1] =	stream.indirect.gather [hbm4b:s5+s6], $0x28, s2, s6, $0xb8;
	[tilespmem:$0x5200] =	vst v63  }
0xc: {  	s8 =	simm.s32 $0x1600  }
0xd: {  	[tilespmem:s8], [sflag:$0x1] =	stream.indirect.gather [hbm4b:s5+s6], $0x28, s6, s6, $0xb8;
	[tilespmem:$0x5200] =	vst v63  }
0xe: {  	s9 =	simm.s32 $0x100;
	s10 =	simm.s32 $0x2A00  }
0xf: {  	[tilespmem:s10], [sflag:$0x1] =	stream.indirect.gather [hbm4b:s5+s6], $0x28, s9, s6, $0xb8;
	[tilespmem:$0x5200] =	vst v63  }
0x10: {  	s11 =	simm.s32 $0x180;
	s12 =	simm.s32 $0x3E00;
	s13 =	simm.s32 $0x1  }
0x11: {  	[tilespmem:s12], [sflag:$0x1] =	stream.indirect.gather [hbm4b:s5+s6], $0x28, s11, s6, $0xb8;
	[tilespmem:$0x5200] =	vst v63  }
0x12: {  	_ =	swait.ge [sflag:s13], $0x1400  }
0x13: {  	[sflag:s13] =	ssyncset.done $0x0  }
0x14: {  	[sflag:s13] =	ssyncadd.s32 $0xFFFFEC00  }
0x15: {  	_ =	swait.ge [sflag:s13], $0x1400  }
0x16: {  	[sflag:s13] =	ssyncset.done $0x0  }
0x17: {  	s15 =	ssub.s32 $0x2, s15;
	[sflag:s13] =	ssyncadd.s32 $0xFFFFEC00  }
0x18: {  	s17 =	sshrl.u32 s15, $0x1;
	_ =	swait.ge [sflag:s13], $0x1400  }
0x19: {  	s15 =	ssub.s32 s15, s17;
	[sflag:s13] =	ssyncset.done $0x0  }
0x1a: {  	s16 =	smul.u32 $0xA00, s16;
	s15 =	smax.u32 s15, $0x1;
	[sflag:s13] =	ssyncadd.s32 $0xFFFFEC00  }
0x1b: {  	p0 =	sne.s32 s15, $0x1;
	_ =	swait.ge [sflag:s13], $0x1400  }
.Ltmp0:
0x1c: {  	s14 =	sadd.s32 s16, s14;
	[sflag:s13] =	ssyncset.done $0x0;
	(pc) =	sbr.rel @!p0 .LBB2_2-.Ltmp0, $4  }
0x1d: {  	s14 =	sadd.s32 $0x28E00, s14;
	[sflag:s13] =	ssyncadd.s32 $0xFFFFEC00  }
0x1e: {  	[hbm4b:s14+s2] =	stream.linear.scatter [tilespmem:s7], [sflag:$0x2], $0x5000, $0x38;
	[tilespmem:$0x5200] =	vst v63  }
0x1f: {  	_ =	swait.ge [sflag:s3], $0x5000  }
0x20: {  	s15 =	sadd.s32 $0xFFFFFFFF, s15;
	[sflag:s3] =	ssyncset.done $0x0  }
.LBB2_1:
0x21: {  	p0 =	sne.s32 s15, $0x1;
	s15 =	sadd.s32 $0xFFFFFFFF, s15;
	[sflag:s3] =	ssyncadd.s32 $0xFFFFB000  }
0x22: {  	[tilespmem:s2], [sflag:$0x2] =	stream.linear.gather [hbm4b:s4+s2], $0x200, $0x38;
	[tilespmem:$0x5200] =	vst v63  }
0x23: {  	_ =	swait.ge [sflag:s3], $0x200  }
0x24: {  	[sflag:s3] =	ssyncset.done $0x0  }
0x25: {  	[sflag:s3] =	ssyncadd.s32 $0xFFFFFE00  }
0x26: {  	[tilespmem:s7], [sflag:$0x1] =	stream.indirect.gather [hbm4b:s5+s6], $0x28, s2, s6, $0xb8;
	[tilespmem:$0x5200] =	vst v63  }
0x27: {  	_ = 	snop  }
0x28: {  	[tilespmem:s8], [sflag:$0x1] =	stream.indirect.gather [hbm4b:s5+s6], $0x28, s6, s6, $0xb8;
	[tilespmem:$0x5200] =	vst v63  }
0x29: {  	_ = 	snop  }
0x2a: {  	[tilespmem:s10], [sflag:$0x1] =	stream.indirect.gather [hbm4b:s5+s6], $0x28, s9, s6, $0xb8;
	[tilespmem:$0x5200] =	vst v63  }
0x2b: {  	_ = 	snop  }
0x2c: {  	[tilespmem:s12], [sflag:$0x1] =	stream.indirect.gather [hbm4b:s5+s6], $0x28, s11, s6, $0xb8;
	[tilespmem:$0x5200] =	vst v63  }
0x2d: {  	_ =	swait.ge [sflag:s13], $0x1400  }
0x2e: {  	[sflag:s13] =	ssyncset.done $0x0  }
0x2f: {  	[sflag:s13] =	ssyncadd.s32 $0xFFFFEC00  }
0x30: {  	_ =	swait.ge [sflag:s13], $0x1400  }
0x31: {  	[sflag:s13] =	ssyncset.done $0x0  }
0x32: {  	[sflag:s13] =	ssyncadd.s32 $0xFFFFEC00  }
0x33: {  	_ =	swait.ge [sflag:s13], $0x1400  }
0x34: {  	[sflag:s13] =	ssyncset.done $0x0  }
0x35: {  	[sflag:s13] =	ssyncadd.s32 $0xFFFFEC00  }
0x36: {  	_ =	swait.ge [sflag:s13], $0x1400  }
.Ltmp1:
0x37: {  	[sflag:s13] =	ssyncset.done $0x0;
	(pc) =	sbr.rel @p0 .LBB2_1-.Ltmp1, $4  }
0x38: {  	[sflag:s13] =	ssyncadd.s32 $0xFFFFEC00  }
0x39: {  	[hbm4b:s14+s2] =	stream.linear.scatter [tilespmem:s7], [sflag:$0x2], $0x5000, $0x38;
	[tilespmem:$0x5200] =	vst v63  }
0x3a: {  	_ =	swait.ge [sflag:s3], $0x5000  }
0x3b: {  	[sflag:s3] =	ssyncset.done $0x0  }
.LBB2_2:
0x3c: {  	[sflag:s3] =	ssyncadd.s32 $0xFFFFB000  }
0x3d: {  	_ =	sfence.sel $0x180000  }
0x3e: {  	[bflag:$0x0] =	sbarrier.arrive $0xFFFF  }
0x3f: {  	p0 =	sne.s32 s0, $0x0;
	_ =	strace $0x90000047  }
0x40: {  	s0 =	sadd.s32 @!p0 $0x100000, s1;
	[bflag:$0x2] =	sbarrier.arrive $0xFFFF  }
0x41: {  	[sflag:s0] =	ssyncadd.tile.s32 @!p0 $0x1;
	_ =	shalt  }
.Lfunc_end2:
_tile_overlayer_lowered:
.L_overlay_start_2:
0x42: {  	(tag) =	ssettag $0x2  }
0x43: {  	s0 =	rddreg [dreg:$0x0];
	s2 =	stileid.u32  }
0x44: {  	s1 =	rddreg [dreg:$0x1];
	p0 =	sne.s32 s2, $0x0  }
0x45: {  	s3 =	rddreg [dreg:$0x2];
	[bflag:$0x3] =	sbarrier.arrive $0xFFFF;
	s2 =	simm.s32 @!p0 $0x1C02  }
0x46: {  	[timem:s3], [sflag:s2] =	dma.local @!p0 [hbm:s0], s1  }
0x47: {  	s0 =	simm.s32 @!p0 $0x2  }
0x48: {  	_ =	swait.ge @!p0 [sflag:s0], s1  }
0x49: {  	s1 =	ssub.s32 @!p0 $0x0, s1;
	[sflag:s0] =	ssyncset.done @!p0 $0x0  }
0x4a: {  	[sflag:s0] =	ssyncadd.s32 @!p0 s1  }
0x4b: {  	[bflag:$0x3] =	sbarrier.arrive $0xFFFF  }
0x4c: {  	_ =	shalt  }

</sc_bundles>
